<compile_context>
chip_gen: v7x
topology: tpu7x:2x2x1
jax: 0.10.2.dev20260603
libtpu: 0.0.44.dev20260713+nightly
codegen_flags: <defaults>
</compile_context>

<pallas_src>
import functools

import jax
import jax.numpy as jnp
from jax import lax
from jax.experimental import pallas as pl
from jax.experimental.pallas import tpu as pltpu
from jax.experimental.pallas import tpu_sc as plsc

R = 32
V = R * R * R
_CHK = 8192

_LO16 = 0xFFFF
_HI16 = -65536
_RND = 0x8000


def _coords_body(pts_ref, vc_ref, idx_ref):
    p = pts_ref[...]
    mean = jnp.mean(p, axis=2, keepdims=True)
    nc = p - mean
    nrm = jnp.sqrt(nc[:, 0:1] ** 2 + nc[:, 1:2] ** 2 + nc[:, 2:3] ** 2)
    denom = jnp.max(nrm, axis=2, keepdims=True) * 2.0
    vc = jnp.clip((nc / denom + 0.5) * R, 0.0, float(R - 1))
    vc_ref[...] = vc
    ri = jnp.round(vc).astype(jnp.int32)
    idx_ref[...] = ri[:, 0] * (R * R) + ri[:, 1] * R + ri[:, 2]


def _compute_coords(pts_t):
    B, _, N = pts_t.shape
    return pl.pallas_call(
        _coords_body,
        out_shape=[
            jax.ShapeDtypeStruct((B, 3, N), jnp.float32),
            jax.ShapeDtypeStruct((B, N), jnp.int32),
        ],
    )(pts_t)


def _sc_scatter_body(feat_hbm, idx_hbm, out_hbm, pk_v, accf, fb,
                     sf0, sf1, so0, so1, *, B, C, N, groups):
    cpg = C // groups
    nch = N // _CHK
    wid = lax.axis_index("s") * 2 + lax.axis_index("c")
    b = wid // groups
    g = wid % groups
    row0 = b * C + g * cpg

    zeros16 = jnp.zeros((16,), jnp.float32)
    ones16 = jnp.ones((16,), jnp.float32)

    def zero_half(a):
        @plsc.parallel_loop(0, V // 16, unroll=8)
        def _(i):
            accf[pl.ds(a * V + i * 16, 16)] = zeros16

    def feat_copy(c, k, h):
        sem = sf0 if h == 0 else sf1
        return pltpu.make_async_copy(
            feat_hbm.at[row0 + c, pl.ds(k * _CHK, _CHK)],
            fb.at[pl.ds(h * _CHK, _CHK)],
            sem,
        )

    def out_copy(c, a):
        sem = so0 if a == 0 else so1
        return pltpu.make_async_copy(
            accf.at[pl.ds(a * V, V)],
            out_hbm.at[b, g * cpg + c],
            sem,
        )
    pltpu.sync_copy(idx_hbm.at[b], pk_v)
    zero_half(0)

    @plsc.parallel_loop(0, N // 16, unroll=8)
    def _(i):
        ix = pk_v[pl.ds(i * 16, 16)]
        plsc.addupdate_scatter(accf.at[pl.ds(0, V)], [ix], ones16)

    @plsc.parallel_loop(0, V // 16, unroll=8)
    def _(i):
        c16 = accf[pl.ds(i * 16, 16)]
        accf[pl.ds(V + i * 16, 16)] = 1.0 / jnp.maximum(c16, 1.0)
        accf[pl.ds(i * 16, 16)] = zeros16

    @plsc.parallel_loop(0, N // 16, unroll=8)
    def _(i):
        ix = pk_v[pl.ds(i * 16, 16)]
        iv = plsc.load_gather(accf.at[pl.ds(V, V)], [ix])
        ivb = plsc.bitcast(iv, jnp.int32)
        pk_v[pl.ds(i * 16, 16)] = ix | ((ivb + _RND) & _HI16)

    zero_half(1)
    feat_copy(0, 0, 0).start()

    def scatter_chunk(k, a, zero_o):
        @plsc.parallel_loop(0, _CHK // 16, unroll=8)
        def _(i):
            w = pk_v[pl.ds(k * _CHK + i * 16, 16)]
            f = fb[pl.ds((k % 2) * _CHK + i * 16, 16)]
            ix = w & _LO16
            iv = plsc.bitcast(w & _HI16, jnp.float32)
            plsc.addupdate_scatter(accf.at[pl.ds(a * V, V)], [ix], f * iv)
            if zero_o:
                zb = (1 - a) * V + (k - 2) * (V // 2) + i * 32
                accf[pl.ds(zb, 16)] = zeros16
                accf[pl.ds(zb + 16, 16)] = zeros16

    def channel(c, a, prefetch_next, wait_prev):
        o = 1 - a
        for k in range(nch):
            if k + 1 < nch:
                feat_copy(c, k + 1, (k + 1) % 2).start()
            else:
                @pl.when(prefetch_next)
                def _():
                    feat_copy(c + 1, 0, 0).start()
            if k == 2:
                @pl.when(wait_prev)
                def _():
                    out_copy(c - 1, o).wait()
            feat_copy(c, k, k % 2).wait()
            scatter_chunk(k, a, zero_o=(k >= 2))
        out_copy(c, a).start()

    def pair_body(t, _):
        c0 = 2 * t
        true_ = jnp.bool_(True)
        channel(c0, 0, true_, wait_prev=t >= 1)
        channel(c0 + 1, 1, t < cpg // 2 - 1, wait_prev=true_)
        return 0

    lax.fori_loop(0, cpg // 2, pair_body, 0)
    out_copy(cpg - 1, 1).wait()


def _sc_scatter(feat2d, idx):
    BC, N = feat2d.shape
    B = idx.shape[0]
    C = BC // B
    groups = 32 // B
    body = functools.partial(_sc_scatter_body, B=B, C=C, N=N, groups=groups)
    mesh = plsc.VectorSubcoreMesh(core_axis_name="c", subcore_axis_name="s")
    return pl.kernel(
        body,
        out_type=jax.ShapeDtypeStruct((B, C, V), jnp.float32),
        mesh=mesh,
        compiler_params=pltpu.CompilerParams(needs_layout_passes=False),
        scratch_types=[
            pltpu.VMEM((N,), jnp.int32),
            pltpu.VMEM((2 * V,), jnp.float32),
            pltpu.VMEM((2 * _CHK,), jnp.float32),
            pltpu.SemaphoreType.DMA,
            pltpu.SemaphoreType.DMA,
            pltpu.SemaphoreType.DMA,
            pltpu.SemaphoreType.DMA,
        ],
    )(feat2d, idx)


def kernel(features, points):
    B, C, N = features.shape
    pts_t = jnp.transpose(points, (0, 2, 1))
    vc, idx = _compute_coords(pts_t)
    out3 = _sc_scatter(features.reshape(B * C, N), idx)
    voxel_feats = out3.reshape(B, C, R, R, R)
    return voxel_feats, vc

# --- scband reference (transcript-rebuilt; emitter-appended) ---
"""Pipeline reference for scband-voxelization-76922864272024 (READ-ONLY COPY).

The authoritative reference and input builder live on the scoring server;
editing this copy changes nothing except your own understanding.
"""

import jax, jax.numpy as jnp
import numpy as np

R = 32
NORMALIZE = True
EPS = 0.0


def setup_inputs(seed: int = 0) -> dict:
    key = jax.random.key(seed)
    k1, k2 = jax.random.split(key)
    features = jax.random.normal(k1, (8, 128, 32768), dtype=jnp.float32)
    points = jax.random.normal(k2, (8, 32768, 3), dtype=jnp.float32)
    return {"features": features, "points": points}


def get_voxel_coords(points_t, r, normalize, eps):
    # points_t: [B, 3, N]; torch .detach() -> stop_gradient
    points_t = jax.lax.stop_gradient(points_t)
    norm_coords = points_t - jnp.mean(points_t, axis=2, keepdims=True)
    if normalize:
        nrm = jnp.linalg.norm(norm_coords, axis=1, keepdims=True)          # [B,1,N]
        denom = jnp.max(nrm, axis=2, keepdims=True) * 2.0 + eps            # [B,1,1]
        norm_coords = norm_coords / denom + 0.5
    else:
        norm_coords = (norm_coords + 1.0) / 2.0
    return jnp.clip(norm_coords * r, 0.0, float(r - 1))


def avg_voxelize(features, coords, r):
    # features: [B, C, N] float; coords: [B, 3, N] int32 in [0, r-1]
    B, C, N = features.shape
    idx = coords[:, 0] * (r * r) + coords[:, 1] * r + coords[:, 2]         # [B, N]
    offsets = (jnp.arange(B, dtype=jnp.int32) * (r ** 3))[:, None]         # [B, 1]
    seg = (idx + offsets).reshape(-1)                                      # [B*N]
    feat_flat = jnp.transpose(features, (0, 2, 1)).reshape(B * N, C)       # [B*N, C]
    num_segments = B * r ** 3
    sums = jax.ops.segment_sum(feat_flat, seg, num_segments=num_segments)  # [B*r^3, C]
    counts = jax.ops.segment_sum(jnp.ones((B * N,), dtype=features.dtype), seg,
                                 num_segments=num_segments)                # [B*r^3]
    avg = sums / jnp.maximum(counts, 1.0)[:, None]
    out = avg.reshape(B, r, r, r, C)
    return jnp.transpose(out, (0, 4, 1, 2, 3))                             # [B, C, r, r, r]


def reference(features, points):
    # features: [B, C, N]; points: [B, N, 3]
    voxel_coords = get_voxel_coords(jnp.transpose(points, (0, 2, 1)), R, NORMALIZE, EPS)
    coords_int = jnp.round(voxel_coords).astype(jnp.int32)
    voxel_feats = avg_voxelize(features, coords_int, R)
    return voxel_feats, voxel_coords

if __name__ == "__main__":
    import jax
    _d = setup_inputs()
    print(jax.jit(kernel)(*tuple(_d.values())))

</pallas_src>

<mosaic_0001>
#map = affine_map<(d0, d1) -> (0, 0)>
#map1 = affine_map<(d0, d1) -> (0, 0, 0)>
module attributes {stable_mosaic.version = 14 : i64} {
  func.func @_sc_scatter_body(%arg0: i32, %arg1: i32, %arg2: memref<1024x32768xf32, #tpu.memory_space<hbm>>, %arg3: memref<8x32768xi32, #tpu.memory_space<hbm>>, %arg4: memref<8x128x32768xf32, #tpu.memory_space<hbm>>, %arg5: memref<32768xi32, #tpu.memory_space<vmem>>, %arg6: memref<65536xf32, #tpu.memory_space<vmem>>, %arg7: memref<16384xf32, #tpu.memory_space<vmem>>, %arg8: memref<!tpu.dma_semaphore, #tpu.memory_space<semaphore_mem>>, %arg9: memref<!tpu.dma_semaphore, #tpu.memory_space<semaphore_mem>>, %arg10: memref<!tpu.dma_semaphore, #tpu.memory_space<semaphore_mem>>, %arg11: memref<!tpu.dma_semaphore, #tpu.memory_space<semaphore_mem>>) attributes {dimension_semantics = [#tpu.dimension_semantics<core_parallel>, #tpu.dimension_semantics<subcore_parallel>], iteration_bounds = array<i64: 2, 16>, scalar_prefetch = 0 : i64, scratch_operands = 7 : i64, tpu.core_type = #tpu.core_type<sc_vector_subcore>, window_params = [{transform_indices = #map}, {transform_indices = #map}, {transform_indices = #map1}]} {
    %mul3A = arith.constant 2 : i32
    %mul3A_0 = arith.muli %arg1, %mul3A : i32
    %add3A = arith.addi %mul3A_0, %arg0 : i32
    %jit3A = arith.constant 4 : i32
    %div3A = arith.divsi %add3A, %jit3A : i32
    %sign3A = arith.constant 0 : i32
    %sign3A_1 = arith.cmpi sgt, %add3A, %sign3A : i32
    %sign3A_2 = arith.extui %sign3A_1 : i1 to i32
    %sign3A_3 = arith.constant 0 : i32
    %sign3A_4 = arith.cmpi slt, %add3A, %sign3A_3 : i32
    %sign3A_5 = arith.extui %sign3A_4 : i1 to i32
    %sign3A_6 = arith.subi %sign3A_2, %sign3A_5 : i32
    %sign3A_7 = arith.constant 0 : i32
    %sign3A_8 = arith.cmpi sgt, %jit3A, %sign3A_7 : i32
    %sign3A_9 = arith.extui %sign3A_8 : i1 to i32
    %sign3A_10 = arith.constant 0 : i32
    %sign3A_11 = arith.cmpi slt, %jit3A, %sign3A_10 : i32
    %sign3A_12 = arith.extui %sign3A_11 : i1 to i32
    %sign3A_13 = arith.subi %sign3A_9, %sign3A_12 : i32
    %ne3A = arith.cmpi ne, %sign3A_6, %sign3A_13 : i32
    %rem3A = arith.remsi %add3A, %jit3A : i32
    %ne3A_14 = arith.constant 0 : i32
    %ne3A_15 = arith.cmpi ne, %rem3A, %ne3A_14 : i32
    %and3A = arith.andi %ne3A, %ne3A_15 : i1
    %sub3A = arith.constant 1 : i32
    %sub3A_16 = arith.subi %div3A, %sub3A : i32
    %select_n3A = arith.select %and3A, %sub3A_16, %div3A : i32
    %jit3A_17 = arith.constant 4 : i32
    %eq3A = arith.constant 0 : i32
    %eq3A_18 = arith.cmpi eq, %jit3A_17, %eq3A : i32
    %jit3A_19 = arith.constant 1 : i32
    %select_n3A_20 = arith.select %eq3A_18, %jit3A_19, %jit3A_17 : i32
    %rem3A_21 = arith.remsi %add3A, %select_n3A_20 : i32
    %ne3A_22 = arith.constant 0 : i32
    %ne3A_23 = arith.cmpi ne, %rem3A_21, %ne3A_22 : i32
    %lt3A = arith.constant 0 : i32
    %lt3A_24 = arith.cmpi slt, %rem3A_21, %lt3A : i32
    %lt3A_25 = arith.constant 0 : i32
    %lt3A_26 = arith.cmpi slt, %select_n3A_20, %lt3A_25 : i32
    %ne3A_27 = arith.xori %lt3A_24, %lt3A_26 : i1
    %and3A_28 = arith.andi %ne3A_27, %ne3A_23 : i1
    %add3A_29 = arith.addi %rem3A_21, %select_n3A_20 : i32
    %select_n3A_30 = arith.select %and3A_28, %add3A_29, %rem3A_21 : i32
    %mul3A_31 = arith.constant 128 : i32
    %mul3A_32 = arith.muli %select_n3A, %mul3A_31 : i32
    %mul3A_33 = arith.constant 32 : i32
    %mul3A_34 = arith.muli %select_n3A_30, %mul3A_33 : i32
    %add3A_35 = arith.addi %mul3A_32, %mul3A_34 : i32
    %broadcast_in_dim3A = arith.constant 0.000000e+00 : f32
    %broadcast_in_dim3A_36 = vector.broadcast %broadcast_in_dim3A : f32 to vector<16xf32>
    %broadcast_in_dim3A_37 = arith.constant 1.000000e+00 : f32
    %broadcast_in_dim3A_38 = vector.broadcast %broadcast_in_dim3A_37 : f32 to vector<16xf32>
    "tpu.region"() ({
      %run_scoped3A = tpu.sem_alloc : memref<!tpu.dma_semaphore, #tpu.memory_space<semaphore_mem>>
      %dma_start3A_83 = arith.constant 0 : i32
      %dma_start3A_84 = tpu.memref_slice %arg3[%select_n3A, %dma_start3A_83] : memref<8x32768xi32, #tpu.memory_space<hbm>> -> memref<1x32768xi32, #tpu.memory_space<hbm>>
      %dma_start3A_85 = tpu.memref_squeeze %dma_start3A_84 : memref<1x32768xi32, #tpu.memory_space<hbm>> -> memref<32768xi32, #tpu.memory_space<hbm>>
      %dma_start3A_86 = arith.constant 0 : i32
      %dma_start3A_87 = tpu.memref_slice %arg3[%select_n3A, %dma_start3A_86] : memref<8x32768xi32, #tpu.memory_space<hbm>> -> memref<1x32768xi32, #tpu.memory_space<hbm>>
      %dma_start3A_88 = tpu.memref_squeeze %dma_start3A_87 : memref<1x32768xi32, #tpu.memory_space<hbm>> -> memref<32768xi32, #tpu.memory_space<hbm>>
      tpu.enqueue_dma source(%dma_start3A_88 : memref<32768xi32, #tpu.memory_space<hbm>>) target(%arg5 : memref<32768xi32, #tpu.memory_space<vmem>>) target_semaphore(%run_scoped3A : memref<!tpu.dma_semaphore, #tpu.memory_space<semaphore_mem>>)
      %dma_wait3A_89 = arith.constant 0 : i32
      %dma_wait3A_90 = tpu.memref_slice %arg3[%select_n3A, %dma_wait3A_89] : memref<8x32768xi32, #tpu.memory_space<hbm>> -> memref<1x32768xi32, #tpu.memory_space<hbm>>
      %dma_wait3A_91 = tpu.memref_squeeze %dma_wait3A_90 : memref<1x32768xi32, #tpu.memory_space<hbm>> -> memref<32768xi32, #tpu.memory_space<hbm>>
      %dma_wait3A_92 = arith.constant 0 : i32
      %dma_wait3A_93 = tpu.memref_slice %arg3[%select_n3A, %dma_wait3A_92] : memref<8x32768xi32, #tpu.memory_space<hbm>> -> memref<1x32768xi32, #tpu.memory_space<hbm>>
      %dma_wait3A_94 = tpu.memref_squeeze %dma_wait3A_93 : memref<1x32768xi32, #tpu.memory_space<hbm>> -> memref<32768xi32, #tpu.memory_space<hbm>>
      tpu.wait_dma2 semaphore(%run_scoped3A : memref<!tpu.dma_semaphore, #tpu.memory_space<semaphore_mem>>) src(%dma_wait3A_94 : memref<32768xi32, #tpu.memory_space<hbm>>) dst(%arg5 : memref<32768xi32, #tpu.memory_space<vmem>>)
      tpu.yield
    }) : () -> ()
    %parallel_loop3A = arith.constant 0 : i32
    %parallel_loop3A_39 = arith.constant 2048 : i32
    %parallel_loop3A_40 = arith.constant 1 : i32
    scf.for %parallel_loop3A_83 = %parallel_loop3A to %parallel_loop3A_39 step %parallel_loop3A_40  : i32 {
      %parallel_loop3A_84 = arith.constant 16 : i32
      %parallel_loop3A_85 = arith.muli %parallel_loop3A_83, %parallel_loop3A_84 : i32
      %parallel_loop3A_86 = arith.constant 0 : i32
      %parallel_loop3A_87 = arith.addi %parallel_loop3A_86, %parallel_loop3A_85 : i32
      %parallel_loop3A_88 = arith.index_cast %parallel_loop3A_87 : i32 to index
      %parallel_loop3A_89 = tpu.vector_load %arg6[%parallel_loop3A_88] {strides = array<i32>} : memref<65536xf32, #tpu.memory_space<vmem>>, vector<16xf32>,
      tpu.vector_store %arg6[%parallel_loop3A_88], %broadcast_in_dim3A_36 {strides = array<i32>} : memref<65536xf32, #tpu.memory_space<vmem>>, vector<16xf32>,
    } {sc.loop_unroll_factor = 8 : i64, sc.parallel_access}
    %parallel_loop3A_41 = arith.constant 0 : i32
    %parallel_loop3A_42 = arith.constant 2048 : i32
    %parallel_loop3A_43 = arith.constant 1 : i32
    scf.for %parallel_loop3A_83 = %parallel_loop3A_41 to %parallel_loop3A_42 step %parallel_loop3A_43  : i32 {
      %parallel_loop3A_84 = arith.constant 16 : i32
      %parallel_loop3A_85 = arith.muli %parallel_loop3A_83, %parallel_loop3A_84 : i32
      %parallel_loop3A_86 = arith.index_cast %parallel_loop3A_85 : i32 to index
      %parallel_loop3A_87 = tpu.vector_load %arg5[%parallel_loop3A_86] {strides = array<i32>} : memref<32768xi32, #tpu.memory_space<vmem>>, vector<16xi32>,
      %parallel_loop3A_88 = arith.constant 0 : i32
      %parallel_loop3A_89 = tpu.memref_slice %arg6[%parallel_loop3A_88] : memref<65536xf32, #tpu.memory_space<vmem>> -> memref<32768xf32, #tpu.memory_space<vmem>>
      tpu.vector_store_idx %parallel_loop3A_89[%parallel_loop3A_87], %broadcast_in_dim3A_38 {add = true} : memref<32768xf32, #tpu.memory_space<vmem>>[vector<16xi32>], vector<16xf32>,
    } {sc.loop_unroll_factor = 8 : i64, sc.parallel_access}
    %parallel_loop3A_44 = arith.constant 0 : i32
    %parallel_loop3A_45 = arith.constant 2048 : i32
    %parallel_loop3A_46 = arith.constant 1 : i32
    scf.for %parallel_loop3A_83 = %parallel_loop3A_44 to %parallel_loop3A_45 step %parallel_loop3A_46  : i32 {
      %parallel_loop3A_84 = arith.constant 16 : i32
      %parallel_loop3A_85 = arith.muli %parallel_loop3A_83, %parallel_loop3A_84 : i32
      %parallel_loop3A_86 = arith.index_cast %parallel_loop3A_85 : i32 to index
      %parallel_loop3A_87 = tpu.vector_load %arg6[%parallel_loop3A_86] {strides = array<i32>} : memref<65536xf32, #tpu.memory_space<vmem>>, vector<16xf32>,
      %parallel_loop3A_88 = arith.constant 1.000000e+00 : f32
      %parallel_loop3A_89 = vector.broadcast %parallel_loop3A_88 : f32 to vector<16xf32>
      %parallel_loop3A_90 = arith.maximumf %parallel_loop3A_87, %parallel_loop3A_89 : vector<16xf32>
      %parallel_loop3A_91 = arith.constant 1.000000e+00 : f32
      %parallel_loop3A_92 = vector.broadcast %parallel_loop3A_91 : f32 to vector<16xf32>
      %parallel_loop3A_93 = arith.divf %parallel_loop3A_92, %parallel_loop3A_90 : vector<16xf32>
      %parallel_loop3A_94 = arith.constant 16 : i32
      %parallel_loop3A_95 = arith.muli %parallel_loop3A_83, %parallel_loop3A_94 : i32
      %parallel_loop3A_96 = arith.constant 32768 : i32
      %parallel_loop3A_97 = arith.addi %parallel_loop3A_96, %parallel_loop3A_95 : i32
      %parallel_loop3A_98 = arith.index_cast %parallel_loop3A_97 : i32 to index
      %parallel_loop3A_99 = tpu.vector_load %arg6[%parallel_loop3A_98] {strides = array<i32>} : memref<65536xf32, #tpu.memory_space<vmem>>, vector<16xf32>,
      tpu.vector_store %arg6[%parallel_loop3A_98], %parallel_loop3A_93 {strides = array<i32>} : memref<65536xf32, #tpu.memory_space<vmem>>, vector<16xf32>,
      %parallel_loop3A_100 = arith.constant 16 : i32
      %parallel_loop3A_101 = arith.muli %parallel_loop3A_83, %parallel_loop3A_100 : i32
      %parallel_loop3A_102 = arith.index_cast %parallel_loop3A_101 : i32 to index
      %parallel_loop3A_103 = tpu.vector_load %arg6[%parallel_loop3A_102] {strides = array<i32>} : memref<65536xf32, #tpu.memory_space<vmem>>, vector<16xf32>,
      tpu.vector_store %arg6[%parallel_loop3A_102], %broadcast_in_dim3A_36 {strides = array<i32>} : memref<65536xf32, #tpu.memory_space<vmem>>, vector<16xf32>,
    } {sc.loop_unroll_factor = 8 : i64, sc.parallel_access}
    %parallel_loop3A_47 = arith.constant 0 : i32
    %parallel_loop3A_48 = arith.constant 2048 : i32
    %parallel_loop3A_49 = arith.constant 1 : i32
    scf.for %parallel_loop3A_83 = %parallel_loop3A_47 to %parallel_loop3A_48 step %parallel_loop3A_49  : i32 {
      %parallel_loop3A_84 = arith.constant 16 : i32
      %parallel_loop3A_85 = arith.muli %parallel_loop3A_83, %parallel_loop3A_84 : i32
      %parallel_loop3A_86 = arith.index_cast %parallel_loop3A_85 : i32 to index
      %parallel_loop3A_87 = tpu.vector_load %arg5[%parallel_loop3A_86] {strides = array<i32>} : memref<32768xi32, #tpu.memory_space<vmem>>, vector<16xi32>,
      %parallel_loop3A_88 = arith.constant 32768 : i32
      %parallel_loop3A_89 = tpu.memref_slice %arg6[%parallel_loop3A_88] : memref<65536xf32, #tpu.memory_space<vmem>> -> memref<32768xf32, #tpu.memory_space<vmem>>
      %parallel_loop3A_90 = tpu.vector_load_idx %parallel_loop3A_89[%parallel_loop3A_87] : memref<32768xf32, #tpu.memory_space<vmem>>[vector<16xi32>], vector<16xf32>,
      %parallel_loop3A_91 = vector.bitcast %parallel_loop3A_90 : vector<16xf32> to vector<16xi32>
      %parallel_loop3A_92 = arith.constant 32768 : i32
      %parallel_loop3A_93 = vector.broadcast %parallel_loop3A_92 : i32 to vector<16xi32>
      %parallel_loop3A_94 = arith.addi %parallel_loop3A_91, %parallel_loop3A_93 : vector<16xi32>
      %parallel_loop3A_95 = arith.constant -65536 : i32
      %parallel_loop3A_96 = vector.broadcast %parallel_loop3A_95 : i32 to vector<16xi32>
      %parallel_loop3A_97 = arith.andi %parallel_loop3A_94, %parallel_loop3A_96 : vector<16xi32>
      %parallel_loop3A_98 = arith.ori %parallel_loop3A_87, %parallel_loop3A_97 : vector<16xi32>
      %parallel_loop3A_99 = arith.constant 16 : i32
      %parallel_loop3A_100 = arith.muli %parallel_loop3A_83, %parallel_loop3A_99 : i32
      %parallel_loop3A_101 = arith.index_cast %parallel_loop3A_100 : i32 to index
      %parallel_loop3A_102 = tpu.vector_load %arg5[%parallel_loop3A_101] {strides = array<i32>} : memref<32768xi32, #tpu.memory_space<vmem>>, vector<16xi32>,
      tpu.vector_store %arg5[%parallel_loop3A_101], %parallel_loop3A_98 {strides = array<i32>} : memref<32768xi32, #tpu.memory_space<vmem>>, vector<16xi32>,
    } {sc.loop_unroll_factor = 8 : i64, sc.parallel_access}
    %parallel_loop3A_50 = arith.constant 0 : i32
    %parallel_loop3A_51 = arith.constant 2048 : i32
    %parallel_loop3A_52 = arith.constant 1 : i32
    scf.for %parallel_loop3A_83 = %parallel_loop3A_50 to %parallel_loop3A_51 step %parallel_loop3A_52  : i32 {
      %parallel_loop3A_84 = arith.constant 16 : i32
      %parallel_loop3A_85 = arith.muli %parallel_loop3A_83, %parallel_loop3A_84 : i32
      %parallel_loop3A_86 = arith.constant 32768 : i32
      %parallel_loop3A_87 = arith.addi %parallel_loop3A_86, %parallel_loop3A_85 : i32
      %parallel_loop3A_88 = arith.index_cast %parallel_loop3A_87 : i32 to index
      %parallel_loop3A_89 = tpu.vector_load %arg6[%parallel_loop3A_88] {strides = array<i32>} : memref<65536xf32, #tpu.memory_space<vmem>>, vector<16xf32>,
      tpu.vector_store %arg6[%parallel_loop3A_88], %broadcast_in_dim3A_36 {strides = array<i32>} : memref<65536xf32, #tpu.memory_space<vmem>>, vector<16xf32>,
    } {sc.loop_unroll_factor = 8 : i64, sc.parallel_access}
    %add3A_53 = arith.constant 0 : i32
    %add3A_54 = arith.addi %add3A_35, %add3A_53 : i32
    %dma_start3A = arith.constant 0 : i32
    %dma_start3A_55 = tpu.memref_slice %arg7[%dma_start3A] : memref<16384xf32, #tpu.memory_space<vmem>> -> memref<8192xf32, #tpu.memory_space<vmem>>
    %dma_start3A_56 = arith.constant 0 : i32
    %dma_start3A_57 = tpu.memref_slice %arg2[%add3A_54, %dma_start3A_56] : memref<1024x32768xf32, #tpu.memory_space<hbm>> -> memref<1x8192xf32, #tpu.memory_space<hbm>>
    %dma_start3A_58 = tpu.memref_squeeze %dma_start3A_57 : memref<1x8192xf32, #tpu.memory_space<hbm>> -> memref<8192xf32, #tpu.memory_space<hbm>>
    %dma_start3A_59 = arith.constant 0 : i32
    %dma_start3A_60 = tpu.memref_slice %arg7[%dma_start3A_59] : memref<16384xf32, #tpu.memory_space<vmem>> -> memref<8192xf32, #tpu.memory_space<vmem>>
    %dma_start3A_61 = arith.constant 0 : i32
    %dma_start3A_62 = tpu.memref_slice %arg2[%add3A_54, %dma_start3A_61] : memref<1024x32768xf32, #tpu.memory_space<hbm>> -> memref<1x8192xf32, #tpu.memory_space<hbm>>
    %dma_start3A_63 = tpu.memref_squeeze %dma_start3A_62 : memref<1x8192xf32, #tpu.memory_space<hbm>> -> memref<8192xf32, #tpu.memory_space<hbm>>
    tpu.enqueue_dma source(%dma_start3A_63 : memref<8192xf32, #tpu.memory_space<hbm>>) target(%dma_start3A_60 : memref<8192xf32, #tpu.memory_space<vmem>>) target_semaphore(%arg8 : memref<!tpu.dma_semaphore, #tpu.memory_space<semaphore_mem>>)
    %scan3A = arith.constant 0 : i32
    %scan3A_64 = arith.constant 0 : i32
    %scan3A_65 = arith.constant 16 : i32
    %scan3A_66 = arith.addi %scan3A_64, %scan3A_65 : i32
    %scan3A_67 = arith.constant 1 : i32
    %scan3A_68 = scf.for %scan3A_83 = %scan3A_64 to %scan3A_66 step %scan3A_67 iter_args(%scan3A_84 = %scan3A) -> (i32)  : i32 {
      %mul3A_85 = arith.constant 2 : i32
      %mul3A_86 = arith.muli %mul3A_85, %scan3A_83 : i32
      %ge3A = arith.constant 1 : i32
      %ge3A_87 = arith.cmpi sge, %scan3A_83, %ge3A : i32
      %add3A_88 = arith.addi %add3A_35, %mul3A_86 : i32
      %dma_start3A_89 = arith.constant 8192 : i32
      %dma_start3A_90 = tpu.memref_slice %arg7[%dma_start3A_89] : memref<16384xf32, #tpu.memory_space<vmem>> -> memref<8192xf32, #tpu.memory_space<vmem>>
      %dma_start3A_91 = arith.constant 8192 : i32
      %dma_start3A_92 = tpu.memref_slice %arg2[%add3A_88, %dma_start3A_91] : memref<1024x32768xf32, #tpu.memory_space<hbm>> -> memref<1x8192xf32, #tpu.memory_space<hbm>>
      %dma_start3A_93 = tpu.memref_squeeze %dma_start3A_92 : memref<1x8192xf32, #tpu.memory_space<hbm>> -> memref<8192xf32, #tpu.memory_space<hbm>>
      %dma_start3A_94 = arith.constant 8192 : i32
      %dma_start3A_95 = tpu.memref_slice %arg7[%dma_start3A_94] : memref<16384xf32, #tpu.memory_space<vmem>> -> memref<8192xf32, #tpu.memory_space<vmem>>
      %dma_start3A_96 = arith.constant 8192 : i32
      %dma_start3A_97 = tpu.memref_slice %arg2[%add3A_88, %dma_start3A_96] : memref<1024x32768xf32, #tpu.memory_space<hbm>> -> memref<1x8192xf32, #tpu.memory_space<hbm>>
      %dma_start3A_98 = tpu.memref_squeeze %dma_start3A_97 : memref<1x8192xf32, #tpu.memory_space<hbm>> -> memref<8192xf32, #tpu.memory_space<hbm>>
      tpu.enqueue_dma source(%dma_start3A_98 : memref<8192xf32, #tpu.memory_space<hbm>>) target(%dma_start3A_95 : memref<8192xf32, #tpu.memory_space<vmem>>) target_semaphore(%arg9 : memref<!tpu.dma_semaphore, #tpu.memory_space<semaphore_mem>>)
      %add3A_99 = arith.addi %add3A_35, %mul3A_86 : i32
      %dma_wait3A_100 = arith.constant 0 : i32
      %dma_wait3A_101 = tpu.memref_slice %arg7[%dma_wait3A_100] : memref<16384xf32, #tpu.memory_space<vmem>> -> memref<8192xf32, #tpu.memory_space<vmem>>
      %dma_wait3A_102 = arith.constant 0 : i32
      %dma_wait3A_103 = tpu.memref_slice %arg2[%add3A_99, %dma_wait3A_102] : memref<1024x32768xf32, #tpu.memory_space<hbm>> -> memref<1x8192xf32, #tpu.memory_space<hbm>>
      %dma_wait3A_104 = tpu.memref_squeeze %dma_wait3A_103 : memref<1x8192xf32, #tpu.memory_space<hbm>> -> memref<8192xf32, #tpu.memory_space<hbm>>
      %dma_wait3A_105 = arith.constant 0 : i32
      %dma_wait3A_106 = tpu.memref_slice %arg7[%dma_wait3A_105] : memref<16384xf32, #tpu.memory_space<vmem>> -> memref<8192xf32, #tpu.memory_space<vmem>>
      %dma_wait3A_107 = arith.constant 0 : i32
      %dma_wait3A_108 = tpu.memref_slice %arg2[%add3A_99, %dma_wait3A_107] : memref<1024x32768xf32, #tpu.memory_space<hbm>> -> memref<1x8192xf32, #tpu.memory_space<hbm>>
      %dma_wait3A_109 = tpu.memref_squeeze %dma_wait3A_108 : memref<1x8192xf32, #tpu.memory_space<hbm>> -> memref<8192xf32, #tpu.memory_space<hbm>>
      tpu.wait_dma2 semaphore(%arg8 : memref<!tpu.dma_semaphore, #tpu.memory_space<semaphore_mem>>) src(%dma_wait3A_109 : memref<8192xf32, #tpu.memory_space<hbm>>) dst(%dma_wait3A_106 : memref<8192xf32, #tpu.memory_space<vmem>>)
      %parallel_loop3A_110 = arith.constant 0 : i32
      %parallel_loop3A_111 = arith.constant 512 : i32
      %parallel_loop3A_112 = arith.constant 1 : i32
      scf.for %parallel_loop3A_331 = %parallel_loop3A_110 to %parallel_loop3A_111 step %parallel_loop3A_112  : i32 {
        %parallel_loop3A_332 = arith.constant 16 : i32
        %parallel_loop3A_333 = arith.muli %parallel_loop3A_331, %parallel_loop3A_332 : i32
        %parallel_loop3A_334 = arith.constant 0 : i32
        %parallel_loop3A_335 = arith.addi %parallel_loop3A_334, %parallel_loop3A_333 : i32
        %parallel_loop3A_336 = arith.index_cast %parallel_loop3A_335 : i32 to index
        %parallel_loop3A_337 = tpu.vector_load %arg5[%parallel_loop3A_336] {strides = array<i32>} : memref<32768xi32, #tpu.memory_space<vmem>>, vector<16xi32>,
        %parallel_loop3A_338 = arith.constant 16 : i32
        %parallel_loop3A_339 = arith.muli %parallel_loop3A_331, %parallel_loop3A_338 : i32
        %parallel_loop3A_340 = arith.constant 0 : i32
        %parallel_loop3A_341 = arith.addi %parallel_loop3A_340, %parallel_loop3A_339 : i32
        %parallel_loop3A_342 = arith.index_cast %parallel_loop3A_341 : i32 to index
        %parallel_loop3A_343 = tpu.vector_load %arg7[%parallel_loop3A_342] {strides = array<i32>} : memref<16384xf32, #tpu.memory_space<vmem>>, vector<16xf32>,
        %parallel_loop3A_344 = arith.constant 65535 : i32
        %parallel_loop3A_345 = vector.broadcast %parallel_loop3A_344 : i32 to vector<16xi32>
        %parallel_loop3A_346 = arith.andi %parallel_loop3A_337, %parallel_loop3A_345 : vector<16xi32>
        %parallel_loop3A_347 = arith.constant -65536 : i32
        %parallel_loop3A_348 = vector.broadcast %parallel_loop3A_347 : i32 to vector<16xi32>
        %parallel_loop3A_349 = arith.andi %parallel_loop3A_337, %parallel_loop3A_348 : vector<16xi32>
        %parallel_loop3A_350 = vector.bitcast %parallel_loop3A_349 : vector<16xi32> to vector<16xf32>
        %parallel_loop3A_351 = arith.mulf %parallel_loop3A_343, %parallel_loop3A_350 : vector<16xf32>
        %parallel_loop3A_352 = arith.constant 0 : i32
        %parallel_loop3A_353 = tpu.memref_slice %arg6[%parallel_loop3A_352] : memref<65536xf32, #tpu.memory_space<vmem>> -> memref<32768xf32, #tpu.memory_space<vmem>>
        tpu.vector_store_idx %parallel_loop3A_353[%parallel_loop3A_346], %parallel_loop3A_351 {add = true} : memref<32768xf32, #tpu.memory_space<vmem>>[vector<16xi32>], vector<16xf32>,
      } {sc.loop_unroll_factor = 8 : i64, sc.parallel_access}
      %add3A_113 = arith.addi %add3A_35, %mul3A_86 : i32
      %dma_start3A_114 = arith.constant 0 : i32
      %dma_start3A_115 = tpu.memref_slice %arg7[%dma_start3A_114] : memref<16384xf32, #tpu.memory_space<vmem>> -> memref<8192xf32, #tpu.memory_space<vmem>>
      %dma_start3A_116 = arith.constant 16384 : i32
      %dma_start3A_117 = tpu.memref_slice %arg2[%add3A_113, %dma_start3A_116] : memref<1024x32768xf32, #tpu.memory_space<hbm>> -> memref<1x8192xf32, #tpu.memory_space<hbm>>
      %dma_start3A_118 = tpu.memref_squeeze %dma_start3A_117 : memref<1x8192xf32, #tpu.memory_space<hbm>> -> memref<8192xf32, #tpu.memory_space<hbm>>
      %dma_start3A_119 = arith.constant 0 : i32
      %dma_start3A_120 = tpu.memref_slice %arg7[%dma_start3A_119] : memref<16384xf32, #tpu.memory_space<vmem>> -> memref<8192xf32, #tpu.memory_space<vmem>>
      %dma_start3A_121 = arith.constant 16384 : i32
      %dma_start3A_122 = tpu.memref_slice %arg2[%add3A_113, %dma_start3A_121] : memref<1024x32768xf32, #tpu.memory_space<hbm>> -> memref<1x8192xf32, #tpu.memory_space<hbm>>
      %dma_start3A_123 = tpu.memref_squeeze %dma_start3A_122 : memref<1x8192xf32, #tpu.memory_space<hbm>> -> memref<8192xf32, #tpu.memory_space<hbm>>
      tpu.enqueue_dma source(%dma_start3A_123 : memref<8192xf32, #tpu.memory_space<hbm>>) target(%dma_start3A_120 : memref<8192xf32, #tpu.memory_space<vmem>>) target_semaphore(%arg8 : memref<!tpu.dma_semaphore, #tpu.memory_space<semaphore_mem>>)
      %add3A_124 = arith.addi %add3A_35, %mul3A_86 : i32
      %dma_wait3A_125 = arith.constant 8192 : i32
      %dma_wait3A_126 = tpu.memref_slice %arg7[%dma_wait3A_125] : memref<16384xf32, #tpu.memory_space<vmem>> -> memref<8192xf32, #tpu.memory_space<vmem>>
      %dma_wait3A_127 = arith.constant 8192 : i32
      %dma_wait3A_128 = tpu.memref_slice %arg2[%add3A_124, %dma_wait3A_127] : memref<1024x32768xf32, #tpu.memory_space<hbm>> -> memref<1x8192xf32, #tpu.memory_space<hbm>>
      %dma_wait3A_129 = tpu.memref_squeeze %dma_wait3A_128 : memref<1x8192xf32, #tpu.memory_space<hbm>> -> memref<8192xf32, #tpu.memory_space<hbm>>
      %dma_wait3A_130 = arith.constant 8192 : i32
      %dma_wait3A_131 = tpu.memref_slice %arg7[%dma_wait3A_130] : memref<16384xf32, #tpu.memory_space<vmem>> -> memref<8192xf32, #tpu.memory_space<vmem>>
      %dma_wait3A_132 = arith.constant 8192 : i32
      %dma_wait3A_133 = tpu.memref_slice %arg2[%add3A_124, %dma_wait3A_132] : memref<1024x32768xf32, #tpu.memory_space<hbm>> -> memref<1x8192xf32, #tpu.memory_space<hbm>>
      %dma_wait3A_134 = tpu.memref_squeeze %dma_wait3A_133 : memref<1x8192xf32, #tpu.memory_space<hbm>> -> memref<8192xf32, #tpu.memory_space<hbm>>
      tpu.wait_dma2 semaphore(%arg9 : memref<!tpu.dma_semaphore, #tpu.memory_space<semaphore_mem>>) src(%dma_wait3A_134 : memref<8192xf32, #tpu.memory_space<hbm>>) dst(%dma_wait3A_131 : memref<8192xf32, #tpu.memory_space<vmem>>)
      %parallel_loop3A_135 = arith.constant 0 : i32
      %parallel_loop3A_136 = arith.constant 512 : i32
      %parallel_loop3A_137 = arith.constant 1 : i32
      scf.for %parallel_loop3A_331 = %parallel_loop3A_135 to %parallel_loop3A_136 step %parallel_loop3A_137  : i32 {
        %parallel_loop3A_332 = arith.constant 16 : i32
        %parallel_loop3A_333 = arith.muli %parallel_loop3A_331, %parallel_loop3A_332 : i32
        %parallel_loop3A_334 = arith.constant 8192 : i32
        %parallel_loop3A_335 = arith.addi %parallel_loop3A_334, %parallel_loop3A_333 : i32
        %parallel_loop3A_336 = arith.index_cast %parallel_loop3A_335 : i32 to index
        %parallel_loop3A_337 = tpu.vector_load %arg5[%parallel_loop3A_336] {strides = array<i32>} : memref<32768xi32, #tpu.memory_space<vmem>>, vector<16xi32>,
        %parallel_loop3A_338 = arith.constant 16 : i32
        %parallel_loop3A_339 = arith.muli %parallel_loop3A_331, %parallel_loop3A_338 : i32
        %parallel_loop3A_340 = arith.constant 8192 : i32
        %parallel_loop3A_341 = arith.addi %parallel_loop3A_340, %parallel_loop3A_339 : i32
        %parallel_loop3A_342 = arith.index_cast %parallel_loop3A_341 : i32 to index
        %parallel_loop3A_343 = tpu.vector_load %arg7[%parallel_loop3A_342] {strides = array<i32>} : memref<16384xf32, #tpu.memory_space<vmem>>, vector<16xf32>,
        %parallel_loop3A_344 = arith.constant 65535 : i32
        %parallel_loop3A_345 = vector.broadcast %parallel_loop3A_344 : i32 to vector<16xi32>
        %parallel_loop3A_346 = arith.andi %parallel_loop3A_337, %parallel_loop3A_345 : vector<16xi32>
        %parallel_loop3A_347 = arith.constant -65536 : i32
        %parallel_loop3A_348 = vector.broadcast %parallel_loop3A_347 : i32 to vector<16xi32>
        %parallel_loop3A_349 = arith.andi %parallel_loop3A_337, %parallel_loop3A_348 : vector<16xi32>
        %parallel_loop3A_350 = vector.bitcast %parallel_loop3A_349 : vector<16xi32> to vector<16xf32>
        %parallel_loop3A_351 = arith.mulf %parallel_loop3A_343, %parallel_loop3A_350 : vector<16xf32>
        %parallel_loop3A_352 = arith.constant 0 : i32
        %parallel_loop3A_353 = tpu.memref_slice %arg6[%parallel_loop3A_352] : memref<65536xf32, #tpu.memory_space<vmem>> -> memref<32768xf32, #tpu.memory_space<vmem>>
        tpu.vector_store_idx %parallel_loop3A_353[%parallel_loop3A_346], %parallel_loop3A_351 {add = true} : memref<32768xf32, #tpu.memory_space<vmem>>[vector<16xi32>], vector<16xf32>,
      } {sc.loop_unroll_factor = 8 : i64, sc.parallel_access}
      %add3A_138 = arith.addi %add3A_35, %mul3A_86 : i32
      %dma_start3A_139 = arith.constant 8192 : i32
      %dma_start3A_140 = tpu.memref_slice %arg7[%dma_start3A_139] : memref<16384xf32, #tpu.memory_space<vmem>> -> memref<8192xf32, #tpu.memory_space<vmem>>
      %dma_start3A_141 = arith.constant 24576 : i32
      %dma_start3A_142 = tpu.memref_slice %arg2[%add3A_138, %dma_start3A_141] : memref<1024x32768xf32, #tpu.memory_space<hbm>> -> memref<1x8192xf32, #tpu.memory_space<hbm>>
      %dma_start3A_143 = tpu.memref_squeeze %dma_start3A_142 : memref<1x8192xf32, #tpu.memory_space<hbm>> -> memref<8192xf32, #tpu.memory_space<hbm>>
      %dma_start3A_144 = arith.constant 8192 : i32
      %dma_start3A_145 = tpu.memref_slice %arg7[%dma_start3A_144] : memref<16384xf32, #tpu.memory_space<vmem>> -> memref<8192xf32, #tpu.memory_space<vmem>>
      %dma_start3A_146 = arith.constant 24576 : i32
      %dma_start3A_147 = tpu.memref_slice %arg2[%add3A_138, %dma_start3A_146] : memref<1024x32768xf32, #tpu.memory_space<hbm>> -> memref<1x8192xf32, #tpu.memory_space<hbm>>
      %dma_start3A_148 = tpu.memref_squeeze %dma_start3A_147 : memref<1x8192xf32, #tpu.memory_space<hbm>> -> memref<8192xf32, #tpu.memory_space<hbm>>
      tpu.enqueue_dma source(%dma_start3A_148 : memref<8192xf32, #tpu.memory_space<hbm>>) target(%dma_start3A_145 : memref<8192xf32, #tpu.memory_space<vmem>>) target_semaphore(%arg9 : memref<!tpu.dma_semaphore, #tpu.memory_space<semaphore_mem>>)
      %convert_element_type3A = arith.extui %ge3A_87 : i1 to i32
      %cond3A = arith.constant 0 : i32
      %cond3A_149 = arith.cmpi ne, %convert_element_type3A, %cond3A : i32
      scf.if %cond3A_149 {
        %sub3A_331 = arith.constant 1 : i32
        %sub3A_332 = arith.subi %mul3A_86, %sub3A_331 : i32
        %mul3A_333 = arith.constant 32 : i32
        %mul3A_334 = arith.muli %select_n3A_30, %mul3A_333 : i32
        %add3A_335 = arith.addi %mul3A_334, %sub3A_332 : i32
        %dma_wait3A_336 = arith.constant 32768 : i32
        %dma_wait3A_337 = tpu.memref_slice %arg6[%dma_wait3A_336] : memref<65536xf32, #tpu.memory_space<vmem>> -> memref<32768xf32, #tpu.memory_space<vmem>>
        %dma_wait3A_338 = arith.constant 0 : i32
        %dma_wait3A_339 = tpu.memref_slice %arg4[%select_n3A, %add3A_335, %dma_wait3A_338] : memref<8x128x32768xf32, #tpu.memory_space<hbm>> -> memref<1x1x32768xf32, #tpu.memory_space<hbm>>
        %dma_wait3A_340 = tpu.memref_squeeze %dma_wait3A_339 : memref<1x1x32768xf32, #tpu.memory_space<hbm>> -> memref<32768xf32, #tpu.memory_space<hbm>>
        %dma_wait3A_341 = arith.constant 0 : i32
        %dma_wait3A_342 = tpu.memref_slice %arg4[%select_n3A, %add3A_335, %dma_wait3A_341] : memref<8x128x32768xf32, #tpu.memory_space<hbm>> -> memref<1x1x32768xf32, #tpu.memory_space<hbm>>
        %dma_wait3A_343 = tpu.memref_squeeze %dma_wait3A_342 : memref<1x1x32768xf32, #tpu.memory_space<hbm>> -> memref<32768xf32, #tpu.memory_space<hbm>>
        %dma_wait3A_344 = arith.constant 32768 : i32
        %dma_wait3A_345 = tpu.memref_slice %arg6[%dma_wait3A_344] : memref<65536xf32, #tpu.memory_space<vmem>> -> memref<32768xf32, #tpu.memory_space<vmem>>
        tpu.wait_dma2 semaphore(%arg11 : memref<!tpu.dma_semaphore, #tpu.memory_space<semaphore_mem>>) src(%dma_wait3A_345 : memref<32768xf32, #tpu.memory_space<vmem>>) dst(%dma_wait3A_343 : memref<32768xf32, #tpu.memory_space<hbm>>)
      } else {
      }
      %add3A_150 = arith.addi %add3A_35, %mul3A_86 : i32
      %dma_wait3A_151 = arith.constant 0 : i32
      %dma_wait3A_152 = tpu.memref_slice %arg7[%dma_wait3A_151] : memref<16384xf32, #tpu.memory_space<vmem>> -> memref<8192xf32, #tpu.memory_space<vmem>>
      %dma_wait3A_153 = arith.constant 16384 : i32
      %dma_wait3A_154 = tpu.memref_slice %arg2[%add3A_150, %dma_wait3A_153] : memref<1024x32768xf32, #tpu.memory_space<hbm>> -> memref<1x8192xf32, #tpu.memory_space<hbm>>
      %dma_wait3A_155 = tpu.memref_squeeze %dma_wait3A_154 : memref<1x8192xf32, #tpu.memory_space<hbm>> -> memref<8192xf32, #tpu.memory_space<hbm>>
      %dma_wait3A_156 = arith.constant 0 : i32
      %dma_wait3A_157 = tpu.memref_slice %arg7[%dma_wait3A_156] : memref<16384xf32, #tpu.memory_space<vmem>> -> memref<8192xf32, #tpu.memory_space<vmem>>
      %dma_wait3A_158 = arith.constant 16384 : i32
      %dma_wait3A_159 = tpu.memref_slice %arg2[%add3A_150, %dma_wait3A_158] : memref<1024x32768xf32, #tpu.memory_space<hbm>> -> memref<1x8192xf32, #tpu.memory_space<hbm>>
      %dma_wait3A_160 = tpu.memref_squeeze %dma_wait3A_159 : memref<1x8192xf32, #tpu.memory_space<hbm>> -> memref<8192xf32, #tpu.memory_space<hbm>>
      tpu.wait_dma2 semaphore(%arg8 : memref<!tpu.dma_semaphore, #tpu.memory_space<semaphore_mem>>) src(%dma_wait3A_160 : memref<8192xf32, #tpu.memory_space<hbm>>) dst(%dma_wait3A_157 : memref<8192xf32, #tpu.memory_space<vmem>>)
      %parallel_loop3A_161 = arith.constant 0 : i32
      %parallel_loop3A_162 = arith.constant 512 : i32
      %parallel_loop3A_163 = arith.constant 1 : i32
      scf.for %parallel_loop3A_331 = %parallel_loop3A_161 to %parallel_loop3A_162 step %parallel_loop3A_163  : i32 {
        %parallel_loop3A_332 = arith.constant 16 : i32
        %parallel_loop3A_333 = arith.muli %parallel_loop3A_331, %parallel_loop3A_332 : i32
        %parallel_loop3A_334 = arith.constant 16384 : i32
        %parallel_loop3A_335 = arith.addi %parallel_loop3A_334, %parallel_loop3A_333 : i32
        %parallel_loop3A_336 = arith.index_cast %parallel_loop3A_335 : i32 to index
        %parallel_loop3A_337 = tpu.vector_load %arg5[%parallel_loop3A_336] {strides = array<i32>} : memref<32768xi32, #tpu.memory_space<vmem>>, vector<16xi32>,
        %parallel_loop3A_338 = arith.constant 16 : i32
        %parallel_loop3A_339 = arith.muli %parallel_loop3A_331, %parallel_loop3A_338 : i32
        %parallel_loop3A_340 = arith.constant 0 : i32
        %parallel_loop3A_341 = arith.addi %parallel_loop3A_340, %parallel_loop3A_339 : i32
        %parallel_loop3A_342 = arith.index_cast %parallel_loop3A_341 : i32 to index
        %parallel_loop3A_343 = tpu.vector_load %arg7[%parallel_loop3A_342] {strides = array<i32>} : memref<16384xf32, #tpu.memory_space<vmem>>, vector<16xf32>,
        %parallel_loop3A_344 = arith.constant 65535 : i32
        %parallel_loop3A_345 = vector.broadcast %parallel_loop3A_344 : i32 to vector<16xi32>
        %parallel_loop3A_346 = arith.andi %parallel_loop3A_337, %parallel_loop3A_345 : vector<16xi32>
        %parallel_loop3A_347 = arith.constant -65536 : i32
        %parallel_loop3A_348 = vector.broadcast %parallel_loop3A_347 : i32 to vector<16xi32>
        %parallel_loop3A_349 = arith.andi %parallel_loop3A_337, %parallel_loop3A_348 : vector<16xi32>
        %parallel_loop3A_350 = vector.bitcast %parallel_loop3A_349 : vector<16xi32> to vector<16xf32>
        %parallel_loop3A_351 = arith.mulf %parallel_loop3A_343, %parallel_loop3A_350 : vector<16xf32>
        %parallel_loop3A_352 = arith.constant 0 : i32
        %parallel_loop3A_353 = tpu.memref_slice %arg6[%parallel_loop3A_352] : memref<65536xf32, #tpu.memory_space<vmem>> -> memref<32768xf32, #tpu.memory_space<vmem>>
        tpu.vector_store_idx %parallel_loop3A_353[%parallel_loop3A_346], %parallel_loop3A_351 {add = true} : memref<32768xf32, #tpu.memory_space<vmem>>[vector<16xi32>], vector<16xf32>,
        %parallel_loop3A_354 = arith.constant 32 : i32
        %parallel_loop3A_355 = arith.muli %parallel_loop3A_331, %parallel_loop3A_354 : i32
        %parallel_loop3A_356 = arith.constant 32768 : i32
        %parallel_loop3A_357 = arith.addi %parallel_loop3A_356, %parallel_loop3A_355 : i32
        %parallel_loop3A_358 = arith.index_cast %parallel_loop3A_357 : i32 to index
        %parallel_loop3A_359 = tpu.vector_load %arg6[%parallel_loop3A_358] {strides = array<i32>} : memref<65536xf32, #tpu.memory_space<vmem>>, vector<16xf32>,
        tpu.vector_store %arg6[%parallel_loop3A_358], %broadcast_in_dim3A_36 {strides = array<i32>} : memref<65536xf32, #tpu.memory_space<vmem>>, vector<16xf32>,
        %parallel_loop3A_360 = arith.constant 16 : i32
        %parallel_loop3A_361 = arith.addi %parallel_loop3A_357, %parallel_loop3A_360 : i32
        %parallel_loop3A_362 = arith.index_cast %parallel_loop3A_361 : i32 to index
        %parallel_loop3A_363 = tpu.vector_load %arg6[%parallel_loop3A_362] {strides = array<i32>} : memref<65536xf32, #tpu.memory_space<vmem>>, vector<16xf32>,
        tpu.vector_store %arg6[%parallel_loop3A_362], %broadcast_in_dim3A_36 {strides = array<i32>} : memref<65536xf32, #tpu.memory_space<vmem>>, vector<16xf32>,
      } {sc.loop_unroll_factor = 8 : i64, sc.parallel_access}
      %cond3A_164 = arith.constant 1 : i32
      %add3A_165 = arith.constant 1 : i32
      %add3A_166 = arith.addi %mul3A_86, %add3A_165 : i32
      %add3A_167 = arith.addi %add3A_35, %add3A_166 : i32
      %dma_start3A_168 = arith.constant 0 : i32
      %dma_start3A_169 = tpu.memref_slice %arg7[%dma_start3A_168] : memref<16384xf32, #tpu.memory_space<vmem>> -> memref<8192xf32, #tpu.memory_space<vmem>>
      %dma_start3A_170 = arith.constant 0 : i32
      %dma_start3A_171 = tpu.memref_slice %arg2[%add3A_167, %dma_start3A_170] : memref<1024x32768xf32, #tpu.memory_space<hbm>> -> memref<1x8192xf32, #tpu.memory_space<hbm>>
      %dma_start3A_172 = tpu.memref_squeeze %dma_start3A_171 : memref<1x8192xf32, #tpu.memory_space<hbm>> -> memref<8192xf32, #tpu.memory_space<hbm>>
      %dma_start3A_173 = arith.constant 0 : i32
      %dma_start3A_174 = tpu.memref_slice %arg7[%dma_start3A_173] : memref<16384xf32, #tpu.memory_space<vmem>> -> memref<8192xf32, #tpu.memory_space<vmem>>
      %dma_start3A_175 = arith.constant 0 : i32
      %dma_start3A_176 = tpu.memref_slice %arg2[%add3A_167, %dma_start3A_175] : memref<1024x32768xf32, #tpu.memory_space<hbm>> -> memref<1x8192xf32, #tpu.memory_space<hbm>>
      %dma_start3A_177 = tpu.memref_squeeze %dma_start3A_176 : memref<1x8192xf32, #tpu.memory_space<hbm>> -> memref<8192xf32, #tpu.memory_space<hbm>>
      tpu.enqueue_dma source(%dma_start3A_177 : memref<8192xf32, #tpu.memory_space<hbm>>) target(%dma_start3A_174 : memref<8192xf32, #tpu.memory_space<vmem>>) target_semaphore(%arg8 : memref<!tpu.dma_semaphore, #tpu.memory_space<semaphore_mem>>)
      %add3A_178 = arith.addi %add3A_35, %mul3A_86 : i32
      %dma_wait3A_179 = arith.constant 8192 : i32
      %dma_wait3A_180 = tpu.memref_slice %arg7[%dma_wait3A_179] : memref<16384xf32, #tpu.memory_space<vmem>> -> memref<8192xf32, #tpu.memory_space<vmem>>
      %dma_wait3A_181 = arith.constant 24576 : i32
      %dma_wait3A_182 = tpu.memref_slice %arg2[%add3A_178, %dma_wait3A_181] : memref<1024x32768xf32, #tpu.memory_space<hbm>> -> memref<1x8192xf32, #tpu.memory_space<hbm>>
      %dma_wait3A_183 = tpu.memref_squeeze %dma_wait3A_182 : memref<1x8192xf32, #tpu.memory_space<hbm>> -> memref<8192xf32, #tpu.memory_space<hbm>>
      %dma_wait3A_184 = arith.constant 8192 : i32
      %dma_wait3A_185 = tpu.memref_slice %arg7[%dma_wait3A_184] : memref<16384xf32, #tpu.memory_space<vmem>> -> memref<8192xf32, #tpu.memory_space<vmem>>
      %dma_wait3A_186 = arith.constant 24576 : i32
      %dma_wait3A_187 = tpu.memref_slice %arg2[%add3A_178, %dma_wait3A_186] : memref<1024x32768xf32, #tpu.memory_space<hbm>> -> memref<1x8192xf32, #tpu.memory_space<hbm>>
      %dma_wait3A_188 = tpu.memref_squeeze %dma_wait3A_187 : memref<1x8192xf32, #tpu.memory_space<hbm>> -> memref<8192xf32, #tpu.memory_space<hbm>>
      tpu.wait_dma2 semaphore(%arg9 : memref<!tpu.dma_semaphore, #tpu.memory_space<semaphore_mem>>) src(%dma_wait3A_188 : memref<8192xf32, #tpu.memory_space<hbm>>) dst(%dma_wait3A_185 : memref<8192xf32, #tpu.memory_space<vmem>>)
      %parallel_loop3A_189 = arith.constant 0 : i32
      %parallel_loop3A_190 = arith.constant 512 : i32
      %parallel_loop3A_191 = arith.constant 1 : i32
      scf.for %parallel_loop3A_331 = %parallel_loop3A_189 to %parallel_loop3A_190 step %parallel_loop3A_191  : i32 {
        %parallel_loop3A_332 = arith.constant 16 : i32
        %parallel_loop3A_333 = arith.muli %parallel_loop3A_331, %parallel_loop3A_332 : i32
        %parallel_loop3A_334 = arith.constant 24576 : i32
        %parallel_loop3A_335 = arith.addi %parallel_loop3A_334, %parallel_loop3A_333 : i32
        %parallel_loop3A_336 = arith.index_cast %parallel_loop3A_335 : i32 to index
        %parallel_loop3A_337 = tpu.vector_load %arg5[%parallel_loop3A_336] {strides = array<i32>} : memref<32768xi32, #tpu.memory_space<vmem>>, vector<16xi32>,
        %parallel_loop3A_338 = arith.constant 16 : i32
        %parallel_loop3A_339 = arith.muli %parallel_loop3A_331, %parallel_loop3A_338 : i32
        %parallel_loop3A_340 = arith.constant 8192 : i32
        %parallel_loop3A_341 = arith.addi %parallel_loop3A_340, %parallel_loop3A_339 : i32
        %parallel_loop3A_342 = arith.index_cast %parallel_loop3A_341 : i32 to index
        %parallel_loop3A_343 = tpu.vector_load %arg7[%parallel_loop3A_342] {strides = array<i32>} : memref<16384xf32, #tpu.memory_space<vmem>>, vector<16xf32>,
        %parallel_loop3A_344 = arith.constant 65535 : i32
        %parallel_loop3A_345 = vector.broadcast %parallel_loop3A_344 : i32 to vector<16xi32>
        %parallel_loop3A_346 = arith.andi %parallel_loop3A_337, %parallel_loop3A_345 : vector<16xi32>
        %parallel_loop3A_347 = arith.constant -65536 : i32
        %parallel_loop3A_348 = vector.broadcast %parallel_loop3A_347 : i32 to vector<16xi32>
        %parallel_loop3A_349 = arith.andi %parallel_loop3A_337, %parallel_loop3A_348 : vector<16xi32>
        %parallel_loop3A_350 = vector.bitcast %parallel_loop3A_349 : vector<16xi32> to vector<16xf32>
        %parallel_loop3A_351 = arith.mulf %parallel_loop3A_343, %parallel_loop3A_350 : vector<16xf32>
        %parallel_loop3A_352 = arith.constant 0 : i32
        %parallel_loop3A_353 = tpu.memref_slice %arg6[%parallel_loop3A_352] : memref<65536xf32, #tpu.memory_space<vmem>> -> memref<32768xf32, #tpu.memory_space<vmem>>
        tpu.vector_store_idx %parallel_loop3A_353[%parallel_loop3A_346], %parallel_loop3A_351 {add = true} : memref<32768xf32, #tpu.memory_space<vmem>>[vector<16xi32>], vector<16xf32>,
        %parallel_loop3A_354 = arith.constant 32 : i32
        %parallel_loop3A_355 = arith.muli %parallel_loop3A_331, %parallel_loop3A_354 : i32
        %parallel_loop3A_356 = arith.constant 49152 : i32
        %parallel_loop3A_357 = arith.addi %parallel_loop3A_356, %parallel_loop3A_355 : i32
        %parallel_loop3A_358 = arith.index_cast %parallel_loop3A_357 : i32 to index
        %parallel_loop3A_359 = tpu.vector_load %arg6[%parallel_loop3A_358] {strides = array<i32>} : memref<65536xf32, #tpu.memory_space<vmem>>, vector<16xf32>,
        tpu.vector_store %arg6[%parallel_loop3A_358], %broadcast_in_dim3A_36 {strides = array<i32>} : memref<65536xf32, #tpu.memory_space<vmem>>, vector<16xf32>,
        %parallel_loop3A_360 = arith.constant 16 : i32
        %parallel_loop3A_361 = arith.addi %parallel_loop3A_357, %parallel_loop3A_360 : i32
        %parallel_loop3A_362 = arith.index_cast %parallel_loop3A_361 : i32 to index
        %parallel_loop3A_363 = tpu.vector_load %arg6[%parallel_loop3A_362] {strides = array<i32>} : memref<65536xf32, #tpu.memory_space<vmem>>, vector<16xf32>,
        tpu.vector_store %arg6[%parallel_loop3A_362], %broadcast_in_dim3A_36 {strides = array<i32>} : memref<65536xf32, #tpu.memory_space<vmem>>, vector<16xf32>,
      } {sc.loop_unroll_factor = 8 : i64, sc.parallel_access}
      %mul3A_192 = arith.constant 32 : i32
      %mul3A_193 = arith.muli %select_n3A_30, %mul3A_192 : i32
      %add3A_194 = arith.addi %mul3A_193, %mul3A_86 : i32
      %dma_start3A_195 = arith.constant 0 : i32
      %dma_start3A_196 = tpu.memref_slice %arg6[%dma_start3A_195] : memref<65536xf32, #tpu.memory_space<vmem>> -> memref<32768xf32, #tpu.memory_space<vmem>>
      %dma_start3A_197 = arith.constant 0 : i32
      %dma_start3A_198 = tpu.memref_slice %arg4[%select_n3A, %add3A_194, %dma_start3A_197] : memref<8x128x32768xf32, #tpu.memory_space<hbm>> -> memref<1x1x32768xf32, #tpu.memory_space<hbm>>
      %dma_start3A_199 = tpu.memref_squeeze %dma_start3A_198 : memref<1x1x32768xf32, #tpu.memory_space<hbm>> -> memref<32768xf32, #tpu.memory_space<hbm>>
      %dma_start3A_200 = arith.constant 0 : i32
      %dma_start3A_201 = tpu.memref_slice %arg4[%select_n3A, %add3A_194, %dma_start3A_200] : memref<8x128x32768xf32, #tpu.memory_space<hbm>> -> memref<1x1x32768xf32, #tpu.memory_space<hbm>>
      %dma_start3A_202 = tpu.memref_squeeze %dma_start3A_201 : memref<1x1x32768xf32, #tpu.memory_space<hbm>> -> memref<32768xf32, #tpu.memory_space<hbm>>
      %dma_start3A_203 = arith.constant 0 : i32
      %dma_start3A_204 = tpu.memref_slice %arg6[%dma_start3A_203] : memref<65536xf32, #tpu.memory_space<vmem>> -> memref<32768xf32, #tpu.memory_space<vmem>>
      tpu.enqueue_dma source(%dma_start3A_204 : memref<32768xf32, #tpu.memory_space<vmem>>) target(%dma_start3A_202 : memref<32768xf32, #tpu.memory_space<hbm>>) target_semaphore(%arg10 : memref<!tpu.dma_semaphore, #tpu.memory_space<semaphore_mem>>)
      %add3A_205 = arith.constant 1 : i32
      %add3A_206 = arith.addi %mul3A_86, %add3A_205 : i32
      %lt3A_207 = arith.constant 15 : i32
      %lt3A_208 = arith.cmpi slt, %scan3A_83, %lt3A_207 : i32
      %add3A_209 = arith.addi %add3A_35, %add3A_206 : i32
      %dma_start3A_210 = arith.constant 8192 : i32
      %dma_start3A_211 = tpu.memref_slice %arg7[%dma_start3A_210] : memref<16384xf32, #tpu.memory_space<vmem>> -> memref<8192xf32, #tpu.memory_space<vmem>>
      %dma_start3A_212 = arith.constant 8192 : i32
      %dma_start3A_213 = tpu.memref_slice %arg2[%add3A_209, %dma_start3A_212] : memref<1024x32768xf32, #tpu.memory_space<hbm>> -> memref<1x8192xf32, #tpu.memory_space<hbm>>
      %dma_start3A_214 = tpu.memref_squeeze %dma_start3A_213 : memref<1x8192xf32, #tpu.memory_space<hbm>> -> memref<8192xf32, #tpu.memory_space<hbm>>
      %dma_start3A_215 = arith.constant 8192 : i32
      %dma_start3A_216 = tpu.memref_slice %arg7[%dma_start3A_215] : memref<16384xf32, #tpu.memory_space<vmem>> -> memref<8192xf32, #tpu.memory_space<vmem>>
      %dma_start3A_217 = arith.constant 8192 : i32
      %dma_start3A_218 = tpu.memref_slice %arg2[%add3A_209, %dma_start3A_217] : memref<1024x32768xf32, #tpu.memory_space<hbm>> -> memref<1x8192xf32, #tpu.memory_space<hbm>>
      %dma_start3A_219 = tpu.memref_squeeze %dma_start3A_218 : memref<1x8192xf32, #tpu.memory_space<hbm>> -> memref<8192xf32, #tpu.memory_space<hbm>>
      tpu.enqueue_dma source(%dma_start3A_219 : memref<8192xf32, #tpu.memory_space<hbm>>) target(%dma_start3A_216 : memref<8192xf32, #tpu.memory_space<vmem>>) target_semaphore(%arg9 : memref<!tpu.dma_semaphore, #tpu.memory_space<semaphore_mem>>)
      %add3A_220 = arith.addi %add3A_35, %add3A_206 : i32
      %dma_wait3A_221 = arith.constant 0 : i32
      %dma_wait3A_222 = tpu.memref_slice %arg7[%dma_wait3A_221] : memref<16384xf32, #tpu.memory_space<vmem>> -> memref<8192xf32, #tpu.memory_space<vmem>>
      %dma_wait3A_223 = arith.constant 0 : i32
      %dma_wait3A_224 = tpu.memref_slice %arg2[%add3A_220, %dma_wait3A_223] : memref<1024x32768xf32, #tpu.memory_space<hbm>> -> memref<1x8192xf32, #tpu.memory_space<hbm>>
      %dma_wait3A_225 = tpu.memref_squeeze %dma_wait3A_224 : memref<1x8192xf32, #tpu.memory_space<hbm>> -> memref<8192xf32, #tpu.memory_space<hbm>>
      %dma_wait3A_226 = arith.constant 0 : i32
      %dma_wait3A_227 = tpu.memref_slice %arg7[%dma_wait3A_226] : memref<16384xf32, #tpu.memory_space<vmem>> -> memref<8192xf32, #tpu.memory_space<vmem>>
      %dma_wait3A_228 = arith.constant 0 : i32
      %dma_wait3A_229 = tpu.memref_slice %arg2[%add3A_220, %dma_wait3A_228] : memref<1024x32768xf32, #tpu.memory_space<hbm>> -> memref<1x8192xf32, #tpu.memory_space<hbm>>
      %dma_wait3A_230 = tpu.memref_squeeze %dma_wait3A_229 : memref<1x8192xf32, #tpu.memory_space<hbm>> -> memref<8192xf32, #tpu.memory_space<hbm>>
      tpu.wait_dma2 semaphore(%arg8 : memref<!tpu.dma_semaphore, #tpu.memory_space<semaphore_mem>>) src(%dma_wait3A_230 : memref<8192xf32, #tpu.memory_space<hbm>>) dst(%dma_wait3A_227 : memref<8192xf32, #tpu.memory_space<vmem>>)
      %parallel_loop3A_231 = arith.constant 0 : i32
      %parallel_loop3A_232 = arith.constant 512 : i32
      %parallel_loop3A_233 = arith.constant 1 : i32
      scf.for %parallel_loop3A_331 = %parallel_loop3A_231 to %parallel_loop3A_232 step %parallel_loop3A_233  : i32 {
        %parallel_loop3A_332 = arith.constant 16 : i32
        %parallel_loop3A_333 = arith.muli %parallel_loop3A_331, %parallel_loop3A_332 : i32
        %parallel_loop3A_334 = arith.constant 0 : i32
        %parallel_loop3A_335 = arith.addi %parallel_loop3A_334, %parallel_loop3A_333 : i32
        %parallel_loop3A_336 = arith.index_cast %parallel_loop3A_335 : i32 to index
        %parallel_loop3A_337 = tpu.vector_load %arg5[%parallel_loop3A_336] {strides = array<i32>} : memref<32768xi32, #tpu.memory_space<vmem>>, vector<16xi32>,
        %parallel_loop3A_338 = arith.constant 16 : i32
        %parallel_loop3A_339 = arith.muli %parallel_loop3A_331, %parallel_loop3A_338 : i32
        %parallel_loop3A_340 = arith.constant 0 : i32
        %parallel_loop3A_341 = arith.addi %parallel_loop3A_340, %parallel_loop3A_339 : i32
        %parallel_loop3A_342 = arith.index_cast %parallel_loop3A_341 : i32 to index
        %parallel_loop3A_343 = tpu.vector_load %arg7[%parallel_loop3A_342] {strides = array<i32>} : memref<16384xf32, #tpu.memory_space<vmem>>, vector<16xf32>,
        %parallel_loop3A_344 = arith.constant 65535 : i32
        %parallel_loop3A_345 = vector.broadcast %parallel_loop3A_344 : i32 to vector<16xi32>
        %parallel_loop3A_346 = arith.andi %parallel_loop3A_337, %parallel_loop3A_345 : vector<16xi32>
        %parallel_loop3A_347 = arith.constant -65536 : i32
        %parallel_loop3A_348 = vector.broadcast %parallel_loop3A_347 : i32 to vector<16xi32>
        %parallel_loop3A_349 = arith.andi %parallel_loop3A_337, %parallel_loop3A_348 : vector<16xi32>
        %parallel_loop3A_350 = vector.bitcast %parallel_loop3A_349 : vector<16xi32> to vector<16xf32>
        %parallel_loop3A_351 = arith.mulf %parallel_loop3A_343, %parallel_loop3A_350 : vector<16xf32>
        %parallel_loop3A_352 = arith.constant 32768 : i32
        %parallel_loop3A_353 = tpu.memref_slice %arg6[%parallel_loop3A_352] : memref<65536xf32, #tpu.memory_space<vmem>> -> memref<32768xf32, #tpu.memory_space<vmem>>
        tpu.vector_store_idx %parallel_loop3A_353[%parallel_loop3A_346], %parallel_loop3A_351 {add = true} : memref<32768xf32, #tpu.memory_space<vmem>>[vector<16xi32>], vector<16xf32>,
      } {sc.loop_unroll_factor = 8 : i64, sc.parallel_access}
      %add3A_234 = arith.addi %add3A_35, %add3A_206 : i32
      %dma_start3A_235 = arith.constant 0 : i32
      %dma_start3A_236 = tpu.memref_slice %arg7[%dma_start3A_235] : memref<16384xf32, #tpu.memory_space<vmem>> -> memref<8192xf32, #tpu.memory_space<vmem>>
      %dma_start3A_237 = arith.constant 16384 : i32
      %dma_start3A_238 = tpu.memref_slice %arg2[%add3A_234, %dma_start3A_237] : memref<1024x32768xf32, #tpu.memory_space<hbm>> -> memref<1x8192xf32, #tpu.memory_space<hbm>>
      %dma_start3A_239 = tpu.memref_squeeze %dma_start3A_238 : memref<1x8192xf32, #tpu.memory_space<hbm>> -> memref<8192xf32, #tpu.memory_space<hbm>>
      %dma_start3A_240 = arith.constant 0 : i32
      %dma_start3A_241 = tpu.memref_slice %arg7[%dma_start3A_240] : memref<16384xf32, #tpu.memory_space<vmem>> -> memref<8192xf32, #tpu.memory_space<vmem>>
      %dma_start3A_242 = arith.constant 16384 : i32
      %dma_start3A_243 = tpu.memref_slice %arg2[%add3A_234, %dma_start3A_242] : memref<1024x32768xf32, #tpu.memory_space<hbm>> -> memref<1x8192xf32, #tpu.memory_space<hbm>>
      %dma_start3A_244 = tpu.memref_squeeze %dma_start3A_243 : memref<1x8192xf32, #tpu.memory_space<hbm>> -> memref<8192xf32, #tpu.memory_space<hbm>>
      tpu.enqueue_dma source(%dma_start3A_244 : memref<8192xf32, #tpu.memory_space<hbm>>) target(%dma_start3A_241 : memref<8192xf32, #tpu.memory_space<vmem>>) target_semaphore(%arg8 : memref<!tpu.dma_semaphore, #tpu.memory_space<semaphore_mem>>)
      %add3A_245 = arith.addi %add3A_35, %add3A_206 : i32
      %dma_wait3A_246 = arith.constant 8192 : i32
      %dma_wait3A_247 = tpu.memref_slice %arg7[%dma_wait3A_246] : memref<16384xf32, #tpu.memory_space<vmem>> -> memref<8192xf32, #tpu.memory_space<vmem>>
      %dma_wait3A_248 = arith.constant 8192 : i32
      %dma_wait3A_249 = tpu.memref_slice %arg2[%add3A_245, %dma_wait3A_248] : memref<1024x32768xf32, #tpu.memory_space<hbm>> -> memref<1x8192xf32, #tpu.memory_space<hbm>>
      %dma_wait3A_250 = tpu.memref_squeeze %dma_wait3A_249 : memref<1x8192xf32, #tpu.memory_space<hbm>> -> memref<8192xf32, #tpu.memory_space<hbm>>
      %dma_wait3A_251 = arith.constant 8192 : i32
      %dma_wait3A_252 = tpu.memref_slice %arg7[%dma_wait3A_251] : memref<16384xf32, #tpu.memory_space<vmem>> -> memref<8192xf32, #tpu.memory_space<vmem>>
      %dma_wait3A_253 = arith.constant 8192 : i32
      %dma_wait3A_254 = tpu.memref_slice %arg2[%add3A_245, %dma_wait3A_253] : memref<1024x32768xf32, #tpu.memory_space<hbm>> -> memref<1x8192xf32, #tpu.memory_space<hbm>>
      %dma_wait3A_255 = tpu.memref_squeeze %dma_wait3A_254 : memref<1x8192xf32, #tpu.memory_space<hbm>> -> memref<8192xf32, #tpu.memory_space<hbm>>
      tpu.wait_dma2 semaphore(%arg9 : memref<!tpu.dma_semaphore, #tpu.memory_space<semaphore_mem>>) src(%dma_wait3A_255 : memref<8192xf32, #tpu.memory_space<hbm>>) dst(%dma_wait3A_252 : memref<8192xf32, #tpu.memory_space<vmem>>)
      %parallel_loop3A_256 = arith.constant 0 : i32
      %parallel_loop3A_257 = arith.constant 512 : i32
      %parallel_loop3A_258 = arith.constant 1 : i32
      scf.for %parallel_loop3A_331 = %parallel_loop3A_256 to %parallel_loop3A_257 step %parallel_loop3A_258  : i32 {
        %parallel_loop3A_332 = arith.constant 16 : i32
        %parallel_loop3A_333 = arith.muli %parallel_loop3A_331, %parallel_loop3A_332 : i32
        %parallel_loop3A_334 = arith.constant 8192 : i32
        %parallel_loop3A_335 = arith.addi %parallel_loop3A_334, %parallel_loop3A_333 : i32
        %parallel_loop3A_336 = arith.index_cast %parallel_loop3A_335 : i32 to index
        %parallel_loop3A_337 = tpu.vector_load %arg5[%parallel_loop3A_336] {strides = array<i32>} : memref<32768xi32, #tpu.memory_space<vmem>>, vector<16xi32>,
        %parallel_loop3A_338 = arith.constant 16 : i32
        %parallel_loop3A_339 = arith.muli %parallel_loop3A_331, %parallel_loop3A_338 : i32
        %parallel_loop3A_340 = arith.constant 8192 : i32
        %parallel_loop3A_341 = arith.addi %parallel_loop3A_340, %parallel_loop3A_339 : i32
        %parallel_loop3A_342 = arith.index_cast %parallel_loop3A_341 : i32 to index
        %parallel_loop3A_343 = tpu.vector_load %arg7[%parallel_loop3A_342] {strides = array<i32>} : memref<16384xf32, #tpu.memory_space<vmem>>, vector<16xf32>,
        %parallel_loop3A_344 = arith.constant 65535 : i32
        %parallel_loop3A_345 = vector.broadcast %parallel_loop3A_344 : i32 to vector<16xi32>
        %parallel_loop3A_346 = arith.andi %parallel_loop3A_337, %parallel_loop3A_345 : vector<16xi32>
        %parallel_loop3A_347 = arith.constant -65536 : i32
        %parallel_loop3A_348 = vector.broadcast %parallel_loop3A_347 : i32 to vector<16xi32>
        %parallel_loop3A_349 = arith.andi %parallel_loop3A_337, %parallel_loop3A_348 : vector<16xi32>
        %parallel_loop3A_350 = vector.bitcast %parallel_loop3A_349 : vector<16xi32> to vector<16xf32>
        %parallel_loop3A_351 = arith.mulf %parallel_loop3A_343, %parallel_loop3A_350 : vector<16xf32>
        %parallel_loop3A_352 = arith.constant 32768 : i32
        %parallel_loop3A_353 = tpu.memref_slice %arg6[%parallel_loop3A_352] : memref<65536xf32, #tpu.memory_space<vmem>> -> memref<32768xf32, #tpu.memory_space<vmem>>
        tpu.vector_store_idx %parallel_loop3A_353[%parallel_loop3A_346], %parallel_loop3A_351 {add = true} : memref<32768xf32, #tpu.memory_space<vmem>>[vector<16xi32>], vector<16xf32>,
      } {sc.loop_unroll_factor = 8 : i64, sc.parallel_access}
      %add3A_259 = arith.addi %add3A_35, %add3A_206 : i32
      %dma_start3A_260 = arith.constant 8192 : i32
      %dma_start3A_261 = tpu.memref_slice %arg7[%dma_start3A_260] : memref<16384xf32, #tpu.memory_space<vmem>> -> memref<8192xf32, #tpu.memory_space<vmem>>
      %dma_start3A_262 = arith.constant 24576 : i32
      %dma_start3A_263 = tpu.memref_slice %arg2[%add3A_259, %dma_start3A_262] : memref<1024x32768xf32, #tpu.memory_space<hbm>> -> memref<1x8192xf32, #tpu.memory_space<hbm>>
      %dma_start3A_264 = tpu.memref_squeeze %dma_start3A_263 : memref<1x8192xf32, #tpu.memory_space<hbm>> -> memref<8192xf32, #tpu.memory_space<hbm>>
      %dma_start3A_265 = arith.constant 8192 : i32
      %dma_start3A_266 = tpu.memref_slice %arg7[%dma_start3A_265] : memref<16384xf32, #tpu.memory_space<vmem>> -> memref<8192xf32, #tpu.memory_space<vmem>>
      %dma_start3A_267 = arith.constant 24576 : i32
      %dma_start3A_268 = tpu.memref_slice %arg2[%add3A_259, %dma_start3A_267] : memref<1024x32768xf32, #tpu.memory_space<hbm>> -> memref<1x8192xf32, #tpu.memory_space<hbm>>
      %dma_start3A_269 = tpu.memref_squeeze %dma_start3A_268 : memref<1x8192xf32, #tpu.memory_space<hbm>> -> memref<8192xf32, #tpu.memory_space<hbm>>
      tpu.enqueue_dma source(%dma_start3A_269 : memref<8192xf32, #tpu.memory_space<hbm>>) target(%dma_start3A_266 : memref<8192xf32, #tpu.memory_space<vmem>>) target_semaphore(%arg9 : memref<!tpu.dma_semaphore, #tpu.memory_space<semaphore_mem>>)
      %cond3A_270 = arith.constant 1 : i32
      %sub3A_271 = arith.constant 1 : i32
      %sub3A_272 = arith.subi %add3A_206, %sub3A_271 : i32
      %mul3A_273 = arith.constant 32 : i32
      %mul3A_274 = arith.muli %select_n3A_30, %mul3A_273 : i32
      %add3A_275 = arith.addi %mul3A_274, %sub3A_272 : i32
      %dma_wait3A_276 = arith.constant 0 : i32
      %dma_wait3A_277 = tpu.memref_slice %arg6[%dma_wait3A_276] : memref<65536xf32, #tpu.memory_space<vmem>> -> memref<32768xf32, #tpu.memory_space<vmem>>
      %dma_wait3A_278 = arith.constant 0 : i32
      %dma_wait3A_279 = tpu.memref_slice %arg4[%select_n3A, %add3A_275, %dma_wait3A_278] : memref<8x128x32768xf32, #tpu.memory_space<hbm>> -> memref<1x1x32768xf32, #tpu.memory_space<hbm>>
      %dma_wait3A_280 = tpu.memref_squeeze %dma_wait3A_279 : memref<1x1x32768xf32, #tpu.memory_space<hbm>> -> memref<32768xf32, #tpu.memory_space<hbm>>
      %dma_wait3A_281 = arith.constant 0 : i32
      %dma_wait3A_282 = tpu.memref_slice %arg4[%select_n3A, %add3A_275, %dma_wait3A_281] : memref<8x128x32768xf32, #tpu.memory_space<hbm>> -> memref<1x1x32768xf32, #tpu.memory_space<hbm>>
      %dma_wait3A_283 = tpu.memref_squeeze %dma_wait3A_282 : memref<1x1x32768xf32, #tpu.memory_space<hbm>> -> memref<32768xf32, #tpu.memory_space<hbm>>
      %dma_wait3A_284 = arith.constant 0 : i32
      %dma_wait3A_285 = tpu.memref_slice %arg6[%dma_wait3A_284] : memref<65536xf32, #tpu.memory_space<vmem>> -> memref<32768xf32, #tpu.memory_space<vmem>>
      tpu.wait_dma2 semaphore(%arg10 : memref<!tpu.dma_semaphore, #tpu.memory_space<semaphore_mem>>) src(%dma_wait3A_285 : memref<32768xf32, #tpu.memory_space<vmem>>) dst(%dma_wait3A_283 : memref<32768xf32, #tpu.memory_space<hbm>>)
      %add3A_286 = arith.addi %add3A_35, %add3A_206 : i32
      %dma_wait3A_287 = arith.constant 0 : i32
      %dma_wait3A_288 = tpu.memref_slice %arg7[%dma_wait3A_287] : memref<16384xf32, #tpu.memory_space<vmem>> -> memref<8192xf32, #tpu.memory_space<vmem>>
      %dma_wait3A_289 = arith.constant 16384 : i32
      %dma_wait3A_290 = tpu.memref_slice %arg2[%add3A_286, %dma_wait3A_289] : memref<1024x32768xf32, #tpu.memory_space<hbm>> -> memref<1x8192xf32, #tpu.memory_space<hbm>>
      %dma_wait3A_291 = tpu.memref_squeeze %dma_wait3A_290 : memref<1x8192xf32, #tpu.memory_space<hbm>> -> memref<8192xf32, #tpu.memory_space<hbm>>
      %dma_wait3A_292 = arith.constant 0 : i32
      %dma_wait3A_293 = tpu.memref_slice %arg7[%dma_wait3A_292] : memref<16384xf32, #tpu.memory_space<vmem>> -> memref<8192xf32, #tpu.memory_space<vmem>>
      %dma_wait3A_294 = arith.constant 16384 : i32
      %dma_wait3A_295 = tpu.memref_slice %arg2[%add3A_286, %dma_wait3A_294] : memref<1024x32768xf32, #tpu.memory_space<hbm>> -> memref<1x8192xf32, #tpu.memory_space<hbm>>
      %dma_wait3A_296 = tpu.memref_squeeze %dma_wait3A_295 : memref<1x8192xf32, #tpu.memory_space<hbm>> -> memref<8192xf32, #tpu.memory_space<hbm>>
      tpu.wait_dma2 semaphore(%arg8 : memref<!tpu.dma_semaphore, #tpu.memory_space<semaphore_mem>>) src(%dma_wait3A_296 : memref<8192xf32, #tpu.memory_space<hbm>>) dst(%dma_wait3A_293 : memref<8192xf32, #tpu.memory_space<vmem>>)
      %parallel_loop3A_297 = arith.constant 0 : i32
      %parallel_loop3A_298 = arith.constant 512 : i32
      %parallel_loop3A_299 = arith.constant 1 : i32
      scf.for %parallel_loop3A_331 = %parallel_loop3A_297 to %parallel_loop3A_298 step %parallel_loop3A_299  : i32 {
        %parallel_loop3A_332 = arith.constant 16 : i32
        %parallel_loop3A_333 = arith.muli %parallel_loop3A_331, %parallel_loop3A_332 : i32
        %parallel_loop3A_334 = arith.constant 16384 : i32
        %parallel_loop3A_335 = arith.addi %parallel_loop3A_334, %parallel_loop3A_333 : i32
        %parallel_loop3A_336 = arith.index_cast %parallel_loop3A_335 : i32 to index
        %parallel_loop3A_337 = tpu.vector_load %arg5[%parallel_loop3A_336] {strides = array<i32>} : memref<32768xi32, #tpu.memory_space<vmem>>, vector<16xi32>,
        %parallel_loop3A_338 = arith.constant 16 : i32
        %parallel_loop3A_339 = arith.muli %parallel_loop3A_331, %parallel_loop3A_338 : i32
        %parallel_loop3A_340 = arith.constant 0 : i32
        %parallel_loop3A_341 = arith.addi %parallel_loop3A_340, %parallel_loop3A_339 : i32
        %parallel_loop3A_342 = arith.index_cast %parallel_loop3A_341 : i32 to index
        %parallel_loop3A_343 = tpu.vector_load %arg7[%parallel_loop3A_342] {strides = array<i32>} : memref<16384xf32, #tpu.memory_space<vmem>>, vector<16xf32>,
        %parallel_loop3A_344 = arith.constant 65535 : i32
        %parallel_loop3A_345 = vector.broadcast %parallel_loop3A_344 : i32 to vector<16xi32>
        %parallel_loop3A_346 = arith.andi %parallel_loop3A_337, %parallel_loop3A_345 : vector<16xi32>
        %parallel_loop3A_347 = arith.constant -65536 : i32
        %parallel_loop3A_348 = vector.broadcast %parallel_loop3A_347 : i32 to vector<16xi32>
        %parallel_loop3A_349 = arith.andi %parallel_loop3A_337, %parallel_loop3A_348 : vector<16xi32>
        %parallel_loop3A_350 = vector.bitcast %parallel_loop3A_349 : vector<16xi32> to vector<16xf32>
        %parallel_loop3A_351 = arith.mulf %parallel_loop3A_343, %parallel_loop3A_350 : vector<16xf32>
        %parallel_loop3A_352 = arith.constant 32768 : i32
        %parallel_loop3A_353 = tpu.memref_slice %arg6[%parallel_loop3A_352] : memref<65536xf32, #tpu.memory_space<vmem>> -> memref<32768xf32, #tpu.memory_space<vmem>>
        tpu.vector_store_idx %parallel_loop3A_353[%parallel_loop3A_346], %parallel_loop3A_351 {add = true} : memref<32768xf32, #tpu.memory_space<vmem>>[vector<16xi32>], vector<16xf32>,
        %parallel_loop3A_354 = arith.constant 32 : i32
        %parallel_loop3A_355 = arith.muli %parallel_loop3A_331, %parallel_loop3A_354 : i32
        %parallel_loop3A_356 = arith.constant 0 : i32
        %parallel_loop3A_357 = arith.addi %parallel_loop3A_356, %parallel_loop3A_355 : i32
        %parallel_loop3A_358 = arith.index_cast %parallel_loop3A_357 : i32 to index
        %parallel_loop3A_359 = tpu.vector_load %arg6[%parallel_loop3A_358] {strides = array<i32>} : memref<65536xf32, #tpu.memory_space<vmem>>, vector<16xf32>,
        tpu.vector_store %arg6[%parallel_loop3A_358], %broadcast_in_dim3A_36 {strides = array<i32>} : memref<65536xf32, #tpu.memory_space<vmem>>, vector<16xf32>,
        %parallel_loop3A_360 = arith.constant 16 : i32
        %parallel_loop3A_361 = arith.addi %parallel_loop3A_357, %parallel_loop3A_360 : i32
        %parallel_loop3A_362 = arith.index_cast %parallel_loop3A_361 : i32 to index
        %parallel_loop3A_363 = tpu.vector_load %arg6[%parallel_loop3A_362] {strides = array<i32>} : memref<65536xf32, #tpu.memory_space<vmem>>, vector<16xf32>,
        tpu.vector_store %arg6[%parallel_loop3A_362], %broadcast_in_dim3A_36 {strides = array<i32>} : memref<65536xf32, #tpu.memory_space<vmem>>, vector<16xf32>,
      } {sc.loop_unroll_factor = 8 : i64, sc.parallel_access}
      %convert_element_type3A_300 = arith.extui %lt3A_208 : i1 to i32
      %cond3A_301 = arith.constant 0 : i32
      %cond3A_302 = arith.cmpi ne, %convert_element_type3A_300, %cond3A_301 : i32
      scf.if %cond3A_302 {
        %add3A_331 = arith.constant 1 : i32
        %add3A_332 = arith.addi %add3A_206, %add3A_331 : i32
        %add3A_333 = arith.addi %add3A_35, %add3A_332 : i32
        %dma_start3A_334 = arith.constant 0 : i32
        %dma_start3A_335 = tpu.memref_slice %arg7[%dma_start3A_334] : memref<16384xf32, #tpu.memory_space<vmem>> -> memref<8192xf32, #tpu.memory_space<vmem>>
        %dma_start3A_336 = arith.constant 0 : i32
        %dma_start3A_337 = tpu.memref_slice %arg2[%add3A_333, %dma_start3A_336] : memref<1024x32768xf32, #tpu.memory_space<hbm>> -> memref<1x8192xf32, #tpu.memory_space<hbm>>
        %dma_start3A_338 = tpu.memref_squeeze %dma_start3A_337 : memref<1x8192xf32, #tpu.memory_space<hbm>> -> memref<8192xf32, #tpu.memory_space<hbm>>
        %dma_start3A_339 = arith.constant 0 : i32
        %dma_start3A_340 = tpu.memref_slice %arg7[%dma_start3A_339] : memref<16384xf32, #tpu.memory_space<vmem>> -> memref<8192xf32, #tpu.memory_space<vmem>>
        %dma_start3A_341 = arith.constant 0 : i32
        %dma_start3A_342 = tpu.memref_slice %arg2[%add3A_333, %dma_start3A_341] : memref<1024x32768xf32, #tpu.memory_space<hbm>> -> memref<1x8192xf32, #tpu.memory_space<hbm>>
        %dma_start3A_343 = tpu.memref_squeeze %dma_start3A_342 : memref<1x8192xf32, #tpu.memory_space<hbm>> -> memref<8192xf32, #tpu.memory_space<hbm>>
        tpu.enqueue_dma source(%dma_start3A_343 : memref<8192xf32, #tpu.memory_space<hbm>>) target(%dma_start3A_340 : memref<8192xf32, #tpu.memory_space<vmem>>) target_semaphore(%arg8 : memref<!tpu.dma_semaphore, #tpu.memory_space<semaphore_mem>>)
      } else {
      }
      %add3A_303 = arith.addi %add3A_35, %add3A_206 : i32
      %dma_wait3A_304 = arith.constant 8192 : i32
      %dma_wait3A_305 = tpu.memref_slice %arg7[%dma_wait3A_304] : memref<16384xf32, #tpu.memory_space<vmem>> -> memref<8192xf32, #tpu.memory_space<vmem>>
      %dma_wait3A_306 = arith.constant 24576 : i32
      %dma_wait3A_307 = tpu.memref_slice %arg2[%add3A_303, %dma_wait3A_306] : memref<1024x32768xf32, #tpu.memory_space<hbm>> -> memref<1x8192xf32, #tpu.memory_space<hbm>>
      %dma_wait3A_308 = tpu.memref_squeeze %dma_wait3A_307 : memref<1x8192xf32, #tpu.memory_space<hbm>> -> memref<8192xf32, #tpu.memory_space<hbm>>
      %dma_wait3A_309 = arith.constant 8192 : i32
      %dma_wait3A_310 = tpu.memref_slice %arg7[%dma_wait3A_309] : memref<16384xf32, #tpu.memory_space<vmem>> -> memref<8192xf32, #tpu.memory_space<vmem>>
      %dma_wait3A_311 = arith.constant 24576 : i32
      %dma_wait3A_312 = tpu.memref_slice %arg2[%add3A_303, %dma_wait3A_311] : memref<1024x32768xf32, #tpu.memory_space<hbm>> -> memref<1x8192xf32, #tpu.memory_space<hbm>>
      %dma_wait3A_313 = tpu.memref_squeeze %dma_wait3A_312 : memref<1x8192xf32, #tpu.memory_space<hbm>> -> memref<8192xf32, #tpu.memory_space<hbm>>
      tpu.wait_dma2 semaphore(%arg9 : memref<!tpu.dma_semaphore, #tpu.memory_space<semaphore_mem>>) src(%dma_wait3A_313 : memref<8192xf32, #tpu.memory_space<hbm>>) dst(%dma_wait3A_310 : memref<8192xf32, #tpu.memory_space<vmem>>)
      %parallel_loop3A_314 = arith.constant 0 : i32
      %parallel_loop3A_315 = arith.constant 512 : i32
      %parallel_loop3A_316 = arith.constant 1 : i32
      scf.for %parallel_loop3A_331 = %parallel_loop3A_314 to %parallel_loop3A_315 step %parallel_loop3A_316  : i32 {
        %parallel_loop3A_332 = arith.constant 16 : i32
        %parallel_loop3A_333 = arith.muli %parallel_loop3A_331, %parallel_loop3A_332 : i32
        %parallel_loop3A_334 = arith.constant 24576 : i32
        %parallel_loop3A_335 = arith.addi %parallel_loop3A_334, %parallel_loop3A_333 : i32
        %parallel_loop3A_336 = arith.index_cast %parallel_loop3A_335 : i32 to index
        %parallel_loop3A_337 = tpu.vector_load %arg5[%parallel_loop3A_336] {strides = array<i32>} : memref<32768xi32, #tpu.memory_space<vmem>>, vector<16xi32>,
        %parallel_loop3A_338 = arith.constant 16 : i32
        %parallel_loop3A_339 = arith.muli %parallel_loop3A_331, %parallel_loop3A_338 : i32
        %parallel_loop3A_340 = arith.constant 8192 : i32
        %parallel_loop3A_341 = arith.addi %parallel_loop3A_340, %parallel_loop3A_339 : i32
        %parallel_loop3A_342 = arith.index_cast %parallel_loop3A_341 : i32 to index
        %parallel_loop3A_343 = tpu.vector_load %arg7[%parallel_loop3A_342] {strides = array<i32>} : memref<16384xf32, #tpu.memory_space<vmem>>, vector<16xf32>,
        %parallel_loop3A_344 = arith.constant 65535 : i32
        %parallel_loop3A_345 = vector.broadcast %parallel_loop3A_344 : i32 to vector<16xi32>
        %parallel_loop3A_346 = arith.andi %parallel_loop3A_337, %parallel_loop3A_345 : vector<16xi32>
        %parallel_loop3A_347 = arith.constant -65536 : i32
        %parallel_loop3A_348 = vector.broadcast %parallel_loop3A_347 : i32 to vector<16xi32>
        %parallel_loop3A_349 = arith.andi %parallel_loop3A_337, %parallel_loop3A_348 : vector<16xi32>
        %parallel_loop3A_350 = vector.bitcast %parallel_loop3A_349 : vector<16xi32> to vector<16xf32>
        %parallel_loop3A_351 = arith.mulf %parallel_loop3A_343, %parallel_loop3A_350 : vector<16xf32>
        %parallel_loop3A_352 = arith.constant 32768 : i32
        %parallel_loop3A_353 = tpu.memref_slice %arg6[%parallel_loop3A_352] : memref<65536xf32, #tpu.memory_space<vmem>> -> memref<32768xf32, #tpu.memory_space<vmem>>
        tpu.vector_store_idx %parallel_loop3A_353[%parallel_loop3A_346], %parallel_loop3A_351 {add = true} : memref<32768xf32, #tpu.memory_space<vmem>>[vector<16xi32>], vector<16xf32>,
        %parallel_loop3A_354 = arith.constant 32 : i32
        %parallel_loop3A_355 = arith.muli %parallel_loop3A_331, %parallel_loop3A_354 : i32
        %parallel_loop3A_356 = arith.constant 16384 : i32
        %parallel_loop3A_357 = arith.addi %parallel_loop3A_356, %parallel_loop3A_355 : i32
        %parallel_loop3A_358 = arith.index_cast %parallel_loop3A_357 : i32 to index
        %parallel_loop3A_359 = tpu.vector_load %arg6[%parallel_loop3A_358] {strides = array<i32>} : memref<65536xf32, #tpu.memory_space<vmem>>, vector<16xf32>,
        tpu.vector_store %arg6[%parallel_loop3A_358], %broadcast_in_dim3A_36 {strides = array<i32>} : memref<65536xf32, #tpu.memory_space<vmem>>, vector<16xf32>,
        %parallel_loop3A_360 = arith.constant 16 : i32
        %parallel_loop3A_361 = arith.addi %parallel_loop3A_357, %parallel_loop3A_360 : i32
        %parallel_loop3A_362 = arith.index_cast %parallel_loop3A_361 : i32 to index
        %parallel_loop3A_363 = tpu.vector_load %arg6[%parallel_loop3A_362] {strides = array<i32>} : memref<65536xf32, #tpu.memory_space<vmem>>, vector<16xf32>,
        tpu.vector_store %arg6[%parallel_loop3A_362], %broadcast_in_dim3A_36 {strides = array<i32>} : memref<65536xf32, #tpu.memory_space<vmem>>, vector<16xf32>,
      } {sc.loop_unroll_factor = 8 : i64, sc.parallel_access}
      %mul3A_317 = arith.constant 32 : i32
      %mul3A_318 = arith.muli %select_n3A_30, %mul3A_317 : i32
      %add3A_319 = arith.addi %mul3A_318, %add3A_206 : i32
      %dma_start3A_320 = arith.constant 32768 : i32
      %dma_start3A_321 = tpu.memref_slice %arg6[%dma_start3A_320] : memref<65536xf32, #tpu.memory_space<vmem>> -> memref<32768xf32, #tpu.memory_space<vmem>>
      %dma_start3A_322 = arith.constant 0 : i32
      %dma_start3A_323 = tpu.memref_slice %arg4[%select_n3A, %add3A_319, %dma_start3A_322] : memref<8x128x32768xf32, #tpu.memory_space<hbm>> -> memref<1x1x32768xf32, #tpu.memory_space<hbm>>
      %dma_start3A_324 = tpu.memref_squeeze %dma_start3A_323 : memref<1x1x32768xf32, #tpu.memory_space<hbm>> -> memref<32768xf32, #tpu.memory_space<hbm>>
      %dma_start3A_325 = arith.constant 0 : i32
      %dma_start3A_326 = tpu.memref_slice %arg4[%select_n3A, %add3A_319, %dma_start3A_325] : memref<8x128x32768xf32, #tpu.memory_space<hbm>> -> memref<1x1x32768xf32, #tpu.memory_space<hbm>>
      %dma_start3A_327 = tpu.memref_squeeze %dma_start3A_326 : memref<1x1x32768xf32, #tpu.memory_space<hbm>> -> memref<32768xf32, #tpu.memory_space<hbm>>
      %dma_start3A_328 = arith.constant 32768 : i32
      %dma_start3A_329 = tpu.memref_slice %arg6[%dma_start3A_328] : memref<65536xf32, #tpu.memory_space<vmem>> -> memref<32768xf32, #tpu.memory_space<vmem>>
      tpu.enqueue_dma source(%dma_start3A_329 : memref<32768xf32, #tpu.memory_space<vmem>>) target(%dma_start3A_327 : memref<32768xf32, #tpu.memory_space<hbm>>) target_semaphore(%arg11 : memref<!tpu.dma_semaphore, #tpu.memory_space<semaphore_mem>>)
      %scan3A_330 = arith.constant 0 : i32
      scf.yield %scan3A_330 : i32
    }
    %scan3A_69 = arith.constant 16 : i32
    %mul3A_70 = arith.constant 32 : i32
    %mul3A_71 = arith.muli %select_n3A_30, %mul3A_70 : i32
    %add3A_72 = arith.constant 31 : i32
    %add3A_73 = arith.addi %mul3A_71, %add3A_72 : i32
    %dma_wait3A = arith.constant 32768 : i32
    %dma_wait3A_74 = tpu.memref_slice %arg6[%dma_wait3A] : memref<65536xf32, #tpu.memory_space<vmem>> -> memref<32768xf32, #tpu.memory_space<vmem>>
    %dma_wait3A_75 = arith.constant 0 : i32
    %dma_wait3A_76 = tpu.memref_slice %arg4[%select_n3A, %add3A_73, %dma_wait3A_75] : memref<8x128x32768xf32, #tpu.memory_space<hbm>> -> memref<1x1x32768xf32, #tpu.memory_space<hbm>>
    %dma_wait3A_77 = tpu.memref_squeeze %dma_wait3A_76 : memref<1x1x32768xf32, #tpu.memory_space<hbm>> -> memref<32768xf32, #tpu.memory_space<hbm>>
    %dma_wait3A_78 = arith.constant 0 : i32
    %dma_wait3A_79 = tpu.memref_slice %arg4[%select_n3A, %add3A_73, %dma_wait3A_78] : memref<8x128x32768xf32, #tpu.memory_space<hbm>> -> memref<1x1x32768xf32, #tpu.memory_space<hbm>>
    %dma_wait3A_80 = tpu.memref_squeeze %dma_wait3A_79 : memref<1x1x32768xf32, #tpu.memory_space<hbm>> -> memref<32768xf32, #tpu.memory_space<hbm>>
    %dma_wait3A_81 = arith.constant 32768 : i32
    %dma_wait3A_82 = tpu.memref_slice %arg6[%dma_wait3A_81] : memref<65536xf32, #tpu.memory_space<vmem>> -> memref<32768xf32, #tpu.memory_space<vmem>>
    tpu.wait_dma2 semaphore(%arg11 : memref<!tpu.dma_semaphore, #tpu.memory_space<semaphore_mem>>) src(%dma_wait3A_82 : memref<32768xf32, #tpu.memory_space<vmem>>) dst(%dma_wait3A_80 : memref<32768xf32, #tpu.memory_space<hbm>>)
    return
  }
}

module attributes {stable_mosaic.version = 14 : i64} {
  func.func @_coords_body(%arg0: memref<8x3x32768xf32, #tpu.memory_space<vmem>>, %arg1: memref<8x3x32768xf32, #tpu.memory_space<vmem>>, %arg2: memref<8x32768xi32, #tpu.memory_space<vmem>>) attributes {dimension_semantics = [], scalar_prefetch = 0 : i64, scratch_operands = 0 : i64, tpu.core_type = #tpu.core_type<tc>} {
    %get3A = arith.constant 0 : index
    %get3A_0 = arith.constant 0 : index
    %get3A_1 = arith.constant 0 : index
    %get3A_2 = vector.load %arg0[%get3A, %get3A_0, %get3A_1] : memref<8x3x32768xf32, #tpu.memory_space<vmem>>, vector<8x3x32768xf32>
    %reduce_sum3A = arith.constant dense<0.000000e+00> : vector<8x3xf32>
    %reduce_sum3A_3 = vector.multi_reduction <add>, %get3A_2, %reduce_sum3A [2] : vector<8x3x32768xf32> to vector<8x3xf32>
    %broadcast_in_dim3A = vector.shape_cast %reduce_sum3A_3 : vector<8x3xf32> to vector<8x3x1xf32>
    %div3A = arith.constant 3.276800e+04 : f32
    %div3A_4 = vector.broadcast %div3A : f32 to vector<8x3x1xf32>
    %div3A_5 = arith.divf %broadcast_in_dim3A, %div3A_4 : vector<8x3x1xf32>
    %sub3A = vector.broadcast %div3A_5 : vector<8x3x1xf32> to vector<8x3x32768xf32>
    %sub3A_6 = arith.subf %get3A_2, %sub3A : vector<8x3x32768xf32>
    %slice3A = vector.extract_strided_slice %sub3A_6 {offsets = [0, 0, 0], sizes = [8, 1, 32768], strides = [1, 1, 1]} : vector<8x3x32768xf32> to vector<8x1x32768xf32>
    %integer_pow3A = arith.mulf %slice3A, %slice3A : vector<8x1x32768xf32>
    %slice3A_7 = vector.extract_strided_slice %sub3A_6 {offsets = [0, 1, 0], sizes = [8, 1, 32768], strides = [1, 1, 1]} : vector<8x3x32768xf32> to vector<8x1x32768xf32>
    %integer_pow3A_8 = arith.mulf %slice3A_7, %slice3A_7 : vector<8x1x32768xf32>
    %add3A = arith.addf %integer_pow3A, %integer_pow3A_8 : vector<8x1x32768xf32>
    %slice3A_9 = vector.extract_strided_slice %sub3A_6 {offsets = [0, 2, 0], sizes = [8, 1, 32768], strides = [1, 1, 1]} : vector<8x3x32768xf32> to vector<8x1x32768xf32>
    %integer_pow3A_10 = arith.mulf %slice3A_9, %slice3A_9 : vector<8x1x32768xf32>
    %add3A_11 = arith.addf %add3A, %integer_pow3A_10 : vector<8x1x32768xf32>
    %sqrt3A = math.sqrt %add3A_11 : vector<8x1x32768xf32>
    %reduce_max3A = arith.constant dense<0xFF800000> : vector<8x1xf32>
    %reduce_max3A_12 = vector.multi_reduction <maximumf>, %sqrt3A, %reduce_max3A [2] : vector<8x1x32768xf32> to vector<8x1xf32>
    %broadcast_in_dim3A_13 = vector.shape_cast %reduce_max3A_12 : vector<8x1xf32> to vector<8x1x1xf32>
    %mul3A = arith.constant 2.000000e+00 : f32
    %mul3A_14 = vector.broadcast %mul3A : f32 to vector<8x1x1xf32>
    %mul3A_15 = arith.mulf %broadcast_in_dim3A_13, %mul3A_14 : vector<8x1x1xf32>
    %div3A_16 = vector.broadcast %mul3A_15 : vector<8x1x1xf32> to vector<8x3x32768xf32>
    %div3A_17 = arith.divf %sub3A_6, %div3A_16 : vector<8x3x32768xf32>
    %add3A_18 = arith.constant 5.000000e-01 : f32
    %add3A_19 = vector.broadcast %add3A_18 : f32 to vector<8x3x32768xf32>
    %add3A_20 = arith.addf %div3A_17, %add3A_19 : vector<8x3x32768xf32>
    %mul3A_21 = arith.constant 3.200000e+01 : f32
    %mul3A_22 = vector.broadcast %mul3A_21 : f32 to vector<8x3x32768xf32>
    %mul3A_23 = arith.mulf %add3A_20, %mul3A_22 : vector<8x3x32768xf32>
    %jit3A = arith.constant 0.000000e+00 : f32
    %jit3A_24 = arith.constant 3.100000e+01 : f32
    %max3A = vector.broadcast %jit3A : f32 to vector<8x3x32768xf32>
    %max3A_25 = arith.maximumf %max3A, %mul3A_23 : vector<8x3x32768xf32>
    %min3A = vector.broadcast %jit3A_24 : f32 to vector<8x3x32768xf32>
    %min3A_26 = arith.minimumf %min3A, %max3A_25 : vector<8x3x32768xf32>
    %swap3A = arith.constant 0 : index
    %swap3A_27 = arith.constant 0 : index
    %swap3A_28 = arith.constant 0 : index
    %swap3A_29 = vector.load %arg1[%swap3A, %swap3A_27, %swap3A_28] : memref<8x3x32768xf32, #tpu.memory_space<vmem>>, vector<8x3x32768xf32>
    tpu.vector_store %arg1[%swap3A, %swap3A_27, %swap3A_28], %min3A_26 {strides = array<i32>} : memref<8x3x32768xf32, #tpu.memory_space<vmem>>, vector<8x3x32768xf32>,
    %round3A = math.roundeven %min3A_26 : vector<8x3x32768xf32>
    %convert_element_type3A = arith.fptosi %round3A : vector<8x3x32768xf32> to vector<8x3x32768xi32>
    %slice3A_30 = vector.extract_strided_slice %convert_element_type3A {offsets = [0, 0, 0], sizes = [8, 1, 32768], strides = [1, 1, 1]} : vector<8x3x32768xi32> to vector<8x1x32768xi32>
    %squeeze3A = vector.shape_cast %slice3A_30 : vector<8x1x32768xi32> to vector<8x32768xi32>
    %mul3A_31 = arith.constant 1024 : i32
    %mul3A_32 = vector.broadcast %mul3A_31 : i32 to vector<8x32768xi32>
    %mul3A_33 = arith.muli %squeeze3A, %mul3A_32 : vector<8x32768xi32>
    %slice3A_34 = vector.extract_strided_slice %convert_element_type3A {offsets = [0, 1, 0], sizes = [8, 1, 32768], strides = [1, 1, 1]} : vector<8x3x32768xi32> to vector<8x1x32768xi32>
    %squeeze3A_35 = vector.shape_cast %slice3A_34 : vector<8x1x32768xi32> to vector<8x32768xi32>
    %mul3A_36 = arith.constant 32 : i32
    %mul3A_37 = vector.broadcast %mul3A_36 : i32 to vector<8x32768xi32>
    %mul3A_38 = arith.muli %squeeze3A_35, %mul3A_37 : vector<8x32768xi32>
    %add3A_39 = arith.addi %mul3A_33, %mul3A_38 : vector<8x32768xi32>
    %slice3A_40 = vector.extract_strided_slice %convert_element_type3A {offsets = [0, 2, 0], sizes = [8, 1, 32768], strides = [1, 1, 1]} : vector<8x3x32768xi32> to vector<8x1x32768xi32>
    %squeeze3A_41 = vector.shape_cast %slice3A_40 : vector<8x1x32768xi32> to vector<8x32768xi32>
    %add3A_42 = arith.addi %add3A_39, %squeeze3A_41 : vector<8x32768xi32>
    %swap3A_43 = arith.constant 0 : index
    %swap3A_44 = arith.constant 0 : index
    %swap3A_45 = vector.load %arg2[%swap3A_43, %swap3A_44] : memref<8x32768xi32, #tpu.memory_space<vmem>>, vector<8x32768xi32>
    tpu.vector_store %arg2[%swap3A_43, %swap3A_44], %add3A_42 {strides = array<i32>} : memref<8x32768xi32, #tpu.memory_space<vmem>>, vector<8x32768xi32>,
    return
  }
}

</mosaic_0001>

<sc_bundles>
// kernel: kernel.4.cloned.1.call-start
scs
__scs_entry_jumppad:
0x0: {  	(pc) =	sbr.rel $0x88, $3  }
0x1: {  	(tag) =	ssettag $0x0;
	lr =	simm.s32 $0x1  }
0x2: {  	[smem:$0x3F9F] =	sst lr;
	_ =	strace $0xD0000000  }
0x3: {  	_ = 	snop  }
0x4: {  	_ = 	snop  }
0x5: {  	_ = 	snop  }
0x6: {  	_ = 	snop  }
0x7: {  	_ = 	snop  }
__scs_overlays_trampoline_lowered:
0x8: {  	[smem:$0x3FAE] =	sst s0  }
0x9: {  	[smem:$0x3FAF] =	sst s1  }
0xa: {  	[smem:$0x3FB0] =	sst s2  }
0xb: {  	[smem:$0x3FB1] =	sst s3  }
0xc: {  	[smem:$0x3FB2] =	sst s4  }
0xd: {  	[smem:$0x3FB3] =	sst s5  }
0xe: {  	[smem:$0x3FB4] =	sst s6  }
0xf: {  	[smem:$0x3FB5] =	sst s7  }
0x10: {  	[smem:$0x3FB6] =	sst s8  }
0x11: {  	[smem:$0x3FB7] =	sst s9;
	s0 =	simm.s32 @!p0 $0x0  }
0x12: {  	s1 =	sld [smem:$0x3F9D];
	s0 =	simm.s32 @p0 $0x1  }
0x13: {  	[smem:$0x3FB8] =	sst s0;
	s0 =	simm.s32 @!p1 $0x0  }
0x14: {  	s2 =	sld [smem:$0x3F9C];
	s0 =	simm.s32 @p1 $0x1  }
0x15: {  	[smem:$0x3FB9] =	sst s0;
	s0 =	simm.s32 @!p2 $0x0  }
0x16: {  	s3 =	sld [smem:$0x3FDB];
	s0 =	simm.s32 @p2 $0x1  }
0x17: {  	s4 =	simm.s32 $0x1BF5;
	[smem:$0x3FBB] =	sst s0  }
0x18: {  	s0 =	sld [smem:$0x3F9E];
	_ =	swait.ge [sflag:s4], $0x0  }
0x19: {  	s7 =	sld [smem:$0x3F9F]  }
0x1a: {  	s8 =	sadd.s32 $0xFFFFE003, lr  }
0x1b: {  	s9 =	sadd.s32 $0xFFFFFEF7, lr;
	s5 =	simm.s32 $0xFFFFFFFF;
	p2 =	slt.u32 s8, $0xFFFFF086  }
0x1c: {  	p1 =	slt.u32 s9, $0xF7A;
	s5 =	simm.s32 @!p2 $0x0  }
0x1d: {  	s5 =	simm.s32 @p1 $0x1;
	p0 =	seq.s32 s7, s2  }
0x1e: {  	s7 =	smul.u32 @!p0 $0xF7A, s2;
	p2 =	seq.s32 @!p0 s5, $0x0  }
0x1f: {  	s9 =	smul.u32 $0xF7A, s1;
	s8 =	simm.s32 @!p0 $0x1BF5;
	p2 =	por !p2, p0  }
0x20: {  	[sflag:s8] =	ssyncset.s32 @!p0 $0xFFFFF086;
	s6 =	sadd.s32 @!p0 s3, s7;
	s7 =	simm.s32 @!p0 $0x108  }
0x21: {  	s3 =	sadd.s32 s3, s9;
	s6 =	sadd.s32 @!p0 $0x88, s6;
	s7 =	simm.s32 @p2 $0x1082  }
0x22: {  	[simem:s7], [sflag:s8] =	dma.local @!p0 [hbm:s6], $0xF7A  }
0x23: {  	s9 =	sor.u32 $0xD0000000, s2;
	s6 =	simm.s32 $0x108;
	_ =	swait.ge @!p0 [sflag:s8], $0x0  }
0x24: {  	s3 =	sadd.s32 $0x88, s3;
	s6 =	simm.s32 @!p1 $0x1082;
	[sflag:s4] =	ssyncset.s32 $0xFFFFF086  }
0x25: {  	[simem:s6], [sflag:s4] =	dma.local [hbm:s3], $0xF7A  }
0x26: {  	[smem:$0x3F9F] =	sst s1;
	(tag) =	ssettag s2;
	_ =	strace s9  }
0x27: {  	s1 =	sld [smem:$0x3FAF]  }
0x28: {  	s2 =	sld [smem:$0x3FB0]  }
0x29: {  	s4 =	sld [smem:$0x3FB2]  }
0x2a: {  	p0 =	seq.s32 s5, $0x0;
	s5 =	sld [smem:$0x3FB3]  }
0x2b: {  	s6 =	sld [smem:$0x3FB4]  }
0x2c: {  	s7 =	sld [smem:$0x3FB5]  }
0x2d: {  	s3 =	simm.s32 $0x108;
	s8 =	sld [smem:$0x3FB6]  }
0x2e: {  	s3 =	simm.s32 @!p0 $0x1082;
	s9 =	sld [smem:$0x3FB7]  }
0x2f: {  	lr =	sadd.s32 s0, s3;
	s0 =	sld [smem:$0x3FAE]  }
0x30: {  	s3 =	sld [smem:$0x3FB1]  }
0x31: {  	[smem:$0x3FBA] =	sst s10  }
0x32: {  	s10 =	sld [smem:$0x3FB8];
	_ =	sdelay $0x3  }
0x33: {  	p0 =	seq.s32 s10, $0x1;
	s10 =	sld [smem:$0x3FBA];
	_ =	sdelay $0x3  }
0x34: {  	[smem:$0x3FBA] =	sst s10  }
0x35: {  	s10 =	sld [smem:$0x3FB9];
	_ =	sdelay $0x3  }
0x36: {  	p1 =	seq.s32 s10, $0x1;
	s10 =	sld [smem:$0x3FBA];
	_ =	sdelay $0x3  }
0x37: {  	[smem:$0x3FBA] =	sst s10  }
0x38: {  	s10 =	sld [smem:$0x3FBB]  }
0x39: {  	_ = 	snop;
	(pc) =	sbr.ind lr, $3  }
0x3a: {  	_ = 	snop  }
0x3b: {  	_ = 	snop  }
0x3c: {  	p2 =	seq.s32 s10, $0x1;
	s10 =	sld [smem:$0x3FBA]  }
0x3d: {  	_ =	shalt  }
0x3e: {  	_ =	shalt  }
0x3f: {  	_ =	shalt  }
0x40: {  	_ =	shalt  }
0x41: {  	_ =	shalt  }
0x42: {  	_ =	shalt  }
0x43: {  	_ =	shalt  }
0x44: {  	_ =	shalt  }
0x45: {  	_ =	shalt  }
0x46: {  	_ =	shalt  }
0x47: {  	_ =	shalt  }
0x48: {  	_ =	shalt  }
0x49: {  	_ =	shalt  }
0x4a: {  	_ =	shalt  }
0x4b: {  	_ =	shalt  }
0x4c: {  	_ =	shalt  }
0x4d: {  	_ =	shalt  }
0x4e: {  	_ =	shalt  }
0x4f: {  	_ =	shalt  }
0x50: {  	_ =	shalt  }
0x51: {  	_ =	shalt  }
0x52: {  	_ =	shalt  }
0x53: {  	_ =	shalt  }
0x54: {  	_ =	shalt  }
0x55: {  	_ =	shalt  }
0x56: {  	_ =	shalt  }
0x57: {  	_ =	shalt  }
0x58: {  	_ =	shalt  }
0x59: {  	_ =	shalt  }
0x5a: {  	_ =	shalt  }
0x5b: {  	_ =	shalt  }
0x5c: {  	_ =	shalt  }
0x5d: {  	_ =	shalt  }
0x5e: {  	_ =	shalt  }
0x5f: {  	_ =	shalt  }
0x60: {  	_ =	shalt  }
0x61: {  	_ =	shalt  }
0x62: {  	_ =	shalt  }
0x63: {  	_ =	shalt  }
0x64: {  	_ =	shalt  }
0x65: {  	_ =	shalt  }
0x66: {  	_ =	shalt  }
0x67: {  	_ =	shalt  }
0x68: {  	_ =	shalt  }
0x69: {  	_ =	shalt  }
0x6a: {  	_ =	shalt  }
0x6b: {  	_ =	shalt  }
0x6c: {  	_ =	shalt  }
0x6d: {  	_ =	shalt  }
0x6e: {  	_ =	shalt  }
0x6f: {  	_ =	shalt  }
0x70: {  	_ =	shalt  }
0x71: {  	_ =	shalt  }
0x72: {  	_ =	shalt  }
0x73: {  	_ =	shalt  }
0x74: {  	_ =	shalt  }
0x75: {  	_ =	shalt  }
0x76: {  	_ =	shalt  }
0x77: {  	_ =	shalt  }
0x78: {  	_ =	shalt  }
0x79: {  	_ =	shalt  }
0x7a: {  	_ =	shalt  }
0x7b: {  	_ =	shalt  }
0x7c: {  	_ =	shalt  }
0x7d: {  	_ =	shalt  }
0x7e: {  	_ =	shalt  }
0x7f: {  	_ =	shalt  }
0x80: {  	_ =	shalt  }
0x81: {  	_ =	shalt  }
0x82: {  	_ =	shalt  }
0x83: {  	_ =	shalt  }
0x84: {  	_ =	shalt  }
0x85: {  	_ =	shalt  }
0x86: {  	_ =	shalt  }
0x87: {  	_ =	shalt  }
.Lfunc_end0:
.L_simem_size_0:
called_computation_lowered:
.L_overlay_start_0:
0x88: {  	s2 =	sld [smem:$0x3FD9]  }
0x89: {  	s3 =	sld [smem:$0x3FFE];
	_ =	sdelay $0x1  }
0x8a: {  	s1 =	srdreg.scid  }
0x8b: {  	s0 =	sand.u32 $0x1, s1  }
0x8c: {  	s17 =	sshll.u32 s0, $0xA;
	s2 =	sadd.s32 s3, s2  }
0x8d: {  	s2 =	sadd.s32 s2, s17  }
0x8e: {  	[smem:$0x3FC6] =	sst s2  }
0x8f: {  	_ = 	snop  }
0x90: {  	s2 =	sld [smem:$0x3FC9];
	(tm) =	ssettm $0x1  }
0x91: {  	s18 =	sld [smem:$0x3FFB];
	_ =	sdelay $0x3  }
0x92: {  	_ =	strace s18  }
0x93: {  	s3 =	sld [smem:$0x3FFC];
	_ =	sdelay $0x3  }
0x94: {  	_ =	strace s3  }
0x95: {  	s3 =	sld [smem:$0x3FFD];
	_ =	sdelay $0x3  }
0x96: {  	_ =	strace s3  }
0x97: {  	_ =	strace $0x8FFFFFFF  }
0x98: {  	s19 =	sld [smem:$0x3FDB];
	_ =	sdelay $0x1  }
0x99: {  	s4 =	simm.s32 $_scs_section_size  }
0x9a: {  	s5 =	simm.s32 $_size__tile_overlayer_lowered;
	s6 =	simm.s32 $_tile_overlayer_lowered  }
0x9b: {  	s22 =	simm.s32 $0x1BFF;
	s21 =	sshll.u32 s6, $0x1;
	s3 =	sadd.s32 s4, s19  }
0x9c: {  	s7 =	simm.s32 $0x0;
	s20 =	sshll.u32 s5, $0x1;
	s5 =	sadd.s32 s21, s3  }
0x9d: {  	[timem:s7], [sflag:s22] =	dma.local [hbm:s5], s20  }
0x9e: {  	_ =	swait.ge [sflag:s22], s20  }
0x9f: {  	s4 =	ssub.s32 $0x0, s20;
	[sflag:s22] =	ssyncset.done $0x0  }
0xa0: {  	[sflag:s22] =	ssyncadd.s32 s4;
	_ =	sdelay $0x1  }
0xa1: {  	s23 =	simm.s32 $0x1B8B  }
0xa2: {  	_ =	swait.ge [sflag:s23], $0x1  }
0xa3: {  	[sflag:s23] =	ssyncset.done $0x0  }
0xa4: {  	s25 =	simm.s32 $0x1B8E;
	s24 =	sld [smem:$0x3FFE];
	[sflag:s23] =	ssyncadd.s32 $0xFFFFFFFF  }
0xa5: {  	s26 =	simm.s32 $execute0_lowered;
	[smem:$0x3FD2] =	sst s25  }
0xa6: {  	s5 =	sshll.u32 s26, $0x1;
	_ =	strace $0x80000046;
	[dreg:$0x1] =	wrdreg $0xFFFFFFFF  }
0xa7: {  	s28 =	simm.s32 $_size_execute0_lowered;
	s3 =	sadd.s32 s3, s5;
	[dreg:$0x0] =	wrdreg $0x0  }
0xa8: {  	s5 =	sshll.u32 s28, $0x1;
	[dreg:$0x2] =	wrdreg s3  }
0xa9: {  	[dreg:$0x3] =	wrdreg s5  }
0xaa: {  	[dreg:$0x4] =	wrdreg $0xC0  }
0xab: {  	_ =	task [dreg:s7], $0x5FFFF  }
0xac: {  	[dreg:$0x1] =	wrdreg $0xFFFFFFFF  }
0xad: {  	[dreg:$0x0] =	wrdreg $0x60  }
0xae: {  	[dreg:$0x2] =	wrdreg s2  }
0xaf: {  	[dreg:$0x3] =	wrdreg s24  }
0xb0: {  	[dreg:$0x4] =	wrdreg $0x9  }
0xb1: {  	_ =	task.clear_ibuf [dreg:s7], $0x5FFFF;
	_ =	strace $0x90000046  }
0xb2: {  	s29 =	simm.s32 $0x9;
	_ =	strace $0x80000048  }
0xb3: {  	_ =	swait.ge [sflag:s29], $0x1  }
0xb4: {  	[sflag:s29] =	ssyncadd.s32 $0xFFFFFFFF  }
0xb5: {  	_ =	strace $0x90000048  }
0xb6: {  	_ =	sfence  }
0xb7: {  	s30 =	sld [smem:$0x0];
	_ =	sdelay $0x2  }
0xb8: {  	s31 =	sshll.u32 s1, $0xD;
	s1 =	sshrl.u32 s1, $0x2  }
0xb9: {  	s3 =	sand.u32 $0x4000, s31;
	s1 =	sadd.s32 s1, s30  }
0xba: {  	s0 =	sor.u32 s3, s0;
	s1 =	sshll.u32 s1, $0x11  }
0xbb: {  	s0 =	sor.u32 s1, s0  }
0xbc: {  	s0 =	sadd.s32 $0x8F2B, s0  }
0xbd: {  	[sflag:s0] =	ssyncadd.remote.s32 $0x1  }
0xbe: {  	_ =	sfence.sel $0xFFFF  }
0xbf: {  	[dreg:$0x0] =	wrdreg $0xFFFFFFFF;
	(pc) =	sbr.abs _section_cstart, $3  }
0xc0: {  	[dreg:$0x1] =	wrdreg $0xFFFFFFFF  }
0xc1: {  	_ =	task.clear_ibuf [dreg:s7], $0x2FFFF;
	_ =	strace $0x9FFFFFFF  }
0xc2: {  	(tm) =	ssettm $0x7FFFFFFF  }
0xc3: {  	_ =	shalt  }
tec
execute0_lowered:
.L_overlay_start_1:
0x0: {  	(tag) =	ssettag $0x1  }
0x1: {  	s1 =	rddreg [dreg:$0x0]  }
0x2: {  	s0 =	rddreg [dreg:$0x1];
	s2 =	simm.s32 $0x0;
	s4 =	stileid.u32  }
0x3: {  	s3 =	srdreg.scid;
	s14 =	simm.s32 $0x80;
	s15 =	simm.s32 $0x400  }
0x4: {  	s17 =	simm.s32 $0x10000;
	s18 =	simm.s32 $0x18000;
	s19 =	simm.s32 $0x1A000  }
0x5: {  	s20 =	simm.s32 $0x1;
	s21 =	simm.s32 $0x8000;
	s22 =	simm.s32 $0x2  }
0x6: {  	s23 =	simm.s32 $0x3;
	s24 =	simm.s32 $0x4;
	s25 =	simm.s32 $0x0  }
0x7: {  	[smem:$0x7FF] =	sst s2;
	s28 =	sshrl.u32 s4, $0x1;
	s4 =	sshll.u32 s4, $0x1  }
0x8: {  	s3 =	sand.u32 $0x1, s3;
	s9 =	sadd.s32 $0x2000, s1;
	s5 =	sshll.u32 s28, $0x4  }
0x9: {  	s4 =	sand.u32 $0x2, s4;
	_ =	strace $0x80000047;
	s6 =	sshll.u32 s28, $0x7  }
0xa: {  	s7 =	sadd.s32 s5, s0;
	s4 =	sor.u32 s3, s4;
	s3 =	ssub.s32 $0x2, s3  }
0xb: {  	s5 =	sadd.s32 $0x8A00, s0;
	s4 =	sshll.u32 s4, $0x5;
	s29 =	sshrl.u32 s3, $0x1  }
0xc: {  	s30 =	sadd.s32 $0xA00, s7;
	s6 =	sor.u32 s6, s4;
	s0 =	ssub.s32 s3, s29  }
0xd: {  	[dreg:$0x3] =	wrdreg s30;
	s31 =	sshll.u32 s6, $0xC;
	s0 =	smax.u32 s0, $0x1  }
0xe: {  	s10 =	sadd.s32 $0x4000, s1;
	s3 =	sadd.s32 s1, s31;
	[dreg:$0x5] =	wrdreg s0  }
0xf: {  	v0 =	vimm.f32 $0.0e+00;
	v1 =	vimm.f32 $1.000000000e+00;
	s12 =	sadd.s32 $0x6000, s1;
	s11 =	sshll.u32 s28, $0x16;
	[dreg:$0x4] =	wrdreg s3  }
.LBB2_1:
0x10: {  	s0 =	simm.s32 $0x0;
	s2 =	rddreg [dreg:$0x3];
	s31 =	simm.s32 $0x5  }
0x11: {  	[tilespmem:s0], [sflag:$0x5] =	stream.strided.gather [hbm4b:s2+s14], $0x8000, s15, s14, $0x38;
	[tilespmem:$0x1C000] =	vst v63  }
0x12: {  	_ =	swait.ge [sflag:s31], $0x8000  }
0x13: {  	[sflag:s31] =	ssyncset.done $0x0  }
0x14: {  	s0 =	simm.s32 $0x8040;
	[sflag:s31] =	ssyncadd.s32 $0xFFFF8000  }
0x15: {  	[tilespmem:s0+$0xFFFFFFC0] =	vst v0  }
0x16: {  	[tilespmem:s0+$0x30] =	vst v0  }
0x17: {  	[tilespmem:s0+$0x20] =	vst v0  }
0x18: {  	[tilespmem:s0+$0x10] =	vst v0  }
0x19: {  	[tilespmem:s0+$0x0] =	vst v0  }
0x1a: {  	[tilespmem:s0+$0xFFFFFFF0] =	vst v0  }
0x1b: {  	s3 =	simm.s32 $0x0;
	[tilespmem:s0+$0xFFFFFFE0] =	vst v0  }
.LBB2_2:
0x1c: {  	s3 =	sadd.s32 $0x8, s3;
	[tilespmem:s0+$0xFFFFFFD0] =	vst v0;
	s0 =	sadd.s32 $0x80, s0;
	s2 =	simm.s32 $0x40  }
0x1d: {  	[tilespmem:s0+$0xFFFFFFC0] =	vst v0;
	p0 =	slt.u32 s3, $0x7F8  }
0x1e: {  	[tilespmem:s0+$0x30] =	vst v0  }
.Ltmp0:
0x1f: {  	[tilespmem:s0+$0x20] =	vst v0;
	(pc) =	sbr.rel @p0 .LBB2_2-.Ltmp0, $4  }
0x20: {  	[tilespmem:s0+$0x10] =	vst v0  }
0x21: {  	[tilespmem:s0+$0x0] =	vst v0  }
0x22: {  	[tilespmem:s0+$0xFFFFFFF0] =	vst v0  }
0x23: {  	[tilespmem:s0+$0xFFFFFFE0] =	vst v0  }
0x24: {  	[tilespmem:s0+$0xFFFFFFD0] =	vst v0  }
0x25: {  	v3 =	vld [tilespmem:s2+$0xFFFFFFC0]  }
0x26: {  	v4 =	vld [tilespmem:s2+$0x30]  }
0x27: {  	v5 =	vld [tilespmem:s2+$0x20]  }
0x28: {  	v6 =	vld [tilespmem:s2+$0x10]  }
0x29: {  	v7 =	vld [tilespmem:s2+$0x0]  }
0x2a: {  	v8 =	vld [tilespmem:s2+$0xFFFFFFF0]  }
0x2b: {  	v9 =	vld [tilespmem:s2+$0xFFFFFFE0]  }
0x2c: {  	s0 =	simm.s32 $0x8000;
	v2 =	vld [tilespmem:s2+$0xFFFFFFD0]  }
0x2d: {  	[tilespmem:v3+s0+$0x0] =	vst.idx.add.f32.msk $0xffff, v1  }
0x2e: {  	[tilespmem:v4+s0+$0x0] =	vst.idx.add.f32.msk $0xffff, v1  }
0x2f: {  	[tilespmem:v5+s0+$0x0] =	vst.idx.add.f32.msk $0xffff, v1  }
0x30: {  	[tilespmem:v6+s0+$0x0] =	vst.idx.add.f32.msk $0xffff, v1  }
0x31: {  	[tilespmem:v7+s0+$0x0] =	vst.idx.add.f32.msk $0xffff, v1  }
0x32: {  	[tilespmem:v8+s0+$0x0] =	vst.idx.add.f32.msk $0xffff, v1  }
0x33: {  	s3 =	simm.s32 $0x0;
	[tilespmem:v9+s0+$0x0] =	vst.idx.add.f32.msk $0xffff, v1  }
.LBB2_4:
0x34: {  	s3 =	sadd.s32 $0x8, s3;
	[tilespmem:v2+s0+$0x0] =	vst.idx.add.f32.msk $0xffff, v1;
	s2 =	sadd.s32 $0x80, s2  }
0x35: {  	v3 =	vld [tilespmem:s2+$0xFFFFFFC0];
	p0 =	slt.u32 s3, $0x7F8  }
0x36: {  	v4 =	vld [tilespmem:s2+$0x30]  }
0x37: {  	v5 =	vld [tilespmem:s2+$0x20]  }
0x38: {  	v6 =	vld [tilespmem:s2+$0x10]  }
0x39: {  	v7 =	vld [tilespmem:s2+$0x0]  }
0x3a: {  	v8 =	vld [tilespmem:s2+$0xFFFFFFF0]  }
0x3b: {  	v9 =	vld [tilespmem:s2+$0xFFFFFFE0]  }
0x3c: {  	v2 =	vld [tilespmem:s2+$0xFFFFFFD0]  }
0x3d: {  	[tilespmem:v3+s0+$0x0] =	vst.idx.add.f32.msk $0xffff, v1  }
0x3e: {  	[tilespmem:v4+s0+$0x0] =	vst.idx.add.f32.msk $0xffff, v1  }
.Ltmp1:
0x3f: {  	[tilespmem:v5+s0+$0x0] =	vst.idx.add.f32.msk $0xffff, v1;
	(pc) =	sbr.rel @p0 .LBB2_4-.Ltmp1, $4  }
0x40: {  	[tilespmem:v6+s0+$0x0] =	vst.idx.add.f32.msk $0xffff, v1  }
0x41: {  	[tilespmem:v7+s0+$0x0] =	vst.idx.add.f32.msk $0xffff, v1  }
0x42: {  	[tilespmem:v8+s0+$0x0] =	vst.idx.add.f32.msk $0xffff, v1  }
0x43: {  	[tilespmem:v9+s0+$0x0] =	vst.idx.add.f32.msk $0xffff, v1  }
0x44: {  	_ =	sdelay $0x3  }
0x45: {  	[tilespmem:v2+s0+$0x0] =	vst.idx.add.f32.msk $0xffff, v1  }
0x46: {  	v2 =	vld [tilespmem:s0+$0x70]  }
0x47: {  	v3 =	vld [tilespmem:s0+$0x10]  }
0x48: {  	v4 =	vld [tilespmem:s0+$0x20]  }
0x49: {  	v5 =	vld [tilespmem:s0+$0x30]  }
0x4a: {  	v6 =	vld [tilespmem:s0+$0x40]  }
0x4b: {  	v7 =	vld [tilespmem:s0+$0x50];
	v2 =	vmax.f32 v2, $1.000000000e+00  }
0x4c: {  	v8 =	vld [tilespmem:s0+$0x60];
	v3 =	vmax.f32 v3, $1.000000000e+00;
	(erf) = vrcp.f32 v2  }
0x4d: {  	v4 =	vmax.f32 v4, $1.000000000e+00;
	v2 =	vld [tilespmem:s0+$0x0];
	(erf) = vrcp.f32 v3  }
0x4e: {  	[tilespmem:s0+$0x10] =	vst v0;
	v3 =	vmax.f32 v5, $1.000000000e+00;
	(erf) = vrcp.f32 v4  }
0x4f: {  	[tilespmem:s0+$0x20] =	vst v0;
	v62 =	vmax.f32 v6, $1.000000000e+00;
	(erf) = vrcp.f32 v3  }
0x50: {  	[tilespmem:s0+$0x30] =	vst v0;
	v3 =	vmax.f32 v7, $1.000000000e+00;
	(erf) = vrcp.f32 v62  }
0x51: {  	[tilespmem:s0+$0x40] =	vst v0;
	v63 =	vmax.f32 v8, $1.000000000e+00;
	(erf) = vrcp.f32 v3  }
0x52: {  	[tilespmem:s0+$0x50] =	vst v0;
	v2 =	vmax.f32 v2, $1.000000000e+00;
	(erf) = vrcp.f32 v63  }
0x53: {  	[tilespmem:s0+$0x60] =	vst v0;
	(erf) = vrcp.f32 v2  }
0x54: {  	[tilespmem:s0+$0x70] =	vst v0  }
0x55: {  	s2 =	simm.s32 $0x0;
	s3 =	simm.s32 $0x8080;
	[tilespmem:s0+$0x0] =	vst v0;
	v2 =	vpop (erf)  }
.LBB2_6:
0x56: {  	v3 =	vld [tilespmem:s3+$0x70];
	s2 =	sadd.s32 $0x8, s2;
	[tilespmem:s0+$0x8070] =	vst v2;
	v2 =	vpop (erf)  }
0x57: {  	v4 =	vld [tilespmem:s3+$0x10];
	p0 =	slt.u32 s2, $0x7F8;
	[tilespmem:s0+$0x8010] =	vst v2;
	v2 =	vpop (erf)  }
0x58: {  	v5 =	vld [tilespmem:s3+$0x20];
	[tilespmem:s0+$0x8020] =	vst v2;
	v2 =	vpop (erf)  }
0x59: {  	v6 =	vld [tilespmem:s3+$0x30];
	[tilespmem:s0+$0x8030] =	vst v2;
	v2 =	vpop (erf)  }
0x5a: {  	v7 =	vld [tilespmem:s3+$0x40];
	[tilespmem:s0+$0x8040] =	vst v2;
	v2 =	vpop (erf)  }
0x5b: {  	v8 =	vld [tilespmem:s3+$0x50];
	v3 =	vmax.f32 v3, $1.000000000e+00;
	[tilespmem:s0+$0x8050] =	vst v2;
	v2 =	vpop (erf)  }
0x5c: {  	v4 =	vmax.f32 v4, $1.000000000e+00;
	v9 =	vld [tilespmem:s3+$0x60];
	(erf) = vrcp.f32 v3;
	[tilespmem:s0+$0x8060] =	vst v2;
	v2 =	vpop (erf)  }
0x5d: {  	v3 =	vld [tilespmem:s3+$0x0];
	v5 =	vmax.f32 v5, $1.000000000e+00;
	(erf) = vrcp.f32 v4;
	[tilespmem:s0+$0x8000] =	vst v2;
	s0 =	smov.u32 s3  }
0x5e: {  	[tilespmem:s3+$0x0] =	vst v0;
	v2 =	vmax.f32 v6, $1.000000000e+00;
	(erf) = vrcp.f32 v5  }
0x5f: {  	[tilespmem:s3+$0x10] =	vst v0;
	v4 =	vmax.f32 v7, $1.000000000e+00;
	(erf) = vrcp.f32 v2  }
0x60: {  	[tilespmem:s3+$0x20] =	vst v0;
	v2 =	vmax.f32 v8, $1.000000000e+00;
	(erf) = vrcp.f32 v4  }
.Ltmp2:
0x61: {  	[tilespmem:s3+$0x30] =	vst v0;
	v4 =	vmax.f32 v9, $1.000000000e+00;
	(erf) = vrcp.f32 v2;
	(pc) =	sbr.rel @p0 .LBB2_6-.Ltmp2, $4  }
0x62: {  	v2 =	vmax.f32 v3, $1.000000000e+00;
	[tilespmem:s3+$0x40] =	vst v0;
	(erf) = vrcp.f32 v4  }
0x63: {  	[tilespmem:s3+$0x50] =	vst v0;
	(erf) = vrcp.f32 v2  }
0x64: {  	[tilespmem:s3+$0x60] =	vst v0  }
0x65: {  	s3 =	sadd.s32 $0x80, s3;
	[tilespmem:s0+$0x70] =	vst v0;
	v2 =	vpop (erf)  }
0x66: {  	[tilespmem:s0+$0x8070] =	vst v2;
	v2 =	vpop (erf)  }
0x67: {  	[tilespmem:s0+$0x8010] =	vst v2;
	v2 =	vpop (erf)  }
0x68: {  	[tilespmem:s0+$0x8020] =	vst v2;
	v2 =	vpop (erf)  }
0x69: {  	[tilespmem:s0+$0x8030] =	vst v2;
	v2 =	vpop (erf)  }
0x6a: {  	[tilespmem:s0+$0x8040] =	vst v2;
	v2 =	vpop (erf)  }
0x6b: {  	[tilespmem:s0+$0x8050] =	vst v2;
	v2 =	vpop (erf)  }
0x6c: {  	[tilespmem:s0+$0x8060] =	vst v2;
	v2 =	vpop (erf)  }
0x6d: {  	s2 =	simm.s32 $0x40;
	[tilespmem:s0+$0x8000] =	vst v2  }
0x6e: {  	v8 =	vld [tilespmem:s2+$0x30]  }
0x6f: {  	v9 =	vld [tilespmem:s2+$0xFFFFFFD0]  }
0x70: {  	v7 =	vld [tilespmem:s2+$0xFFFFFFE0]  }
0x71: {  	v6 =	vld [tilespmem:s2+$0xFFFFFFF0]  }
0x72: {  	v5 =	vld [tilespmem:s2+$0x0]  }
0x73: {  	v4 =	vld [tilespmem:s2+$0x10]  }
0x74: {  	v2 =	vld [tilespmem:s2+$0x20]  }
0x75: {  	v3 =	vld [tilespmem:s2+$0xFFFFFFC0]  }
0x76: {  	v11 =	vld.idx.msk [tilespmem:v8+s17+$0x0], $0xffff  }
0x77: {  	v16 =	vld.idx.msk [tilespmem:v9+s17+$0x0], $0xffff  }
0x78: {  	v15 =	vld.idx.msk [tilespmem:v7+s17+$0x0], $0xffff  }
0x79: {  	v14 =	vld.idx.msk [tilespmem:v6+s17+$0x0], $0xffff  }
0x7a: {  	v13 =	vld.idx.msk [tilespmem:v5+s17+$0x0], $0xffff  }
0x7b: {  	v12 =	vld.idx.msk [tilespmem:v4+s17+$0x0], $0xffff  }
0x7c: {  	v10 =	vld.idx.msk [tilespmem:v2+s17+$0x0], $0xffff;
	v18 =	vadd.s32 $0x8000, v11  }
0x7d: {  	s3 =	simm.s32 $0x0;
	s7 =	simm.s32 $0xC0;
	v11 =	vld.idx.msk [tilespmem:v3+s17+$0x0], $0xffff;
	v17 =	vadd.s32 $0x8000, v16;
	v16 =	vand.u32 $0xFFFF0000, v18  }
.LBB2_8:
0x7e: {  	s3 =	sadd.s32 $0x8, s3;
	v17 =	vand.u32 $0xFFFF0000, v17;
	v15 =	vadd.s32 $0x8000, v15;
	v16 =	vor.u32 v8, v16;
	v8 =	vld [tilespmem:s7+$0x30];
	s0 =	simm.s32 $0x10070  }
0x7f: {  	v14 =	vadd.s32 $0x8000, v14;
	p0 =	slt.u32 s3, $0x7F8;
	v17 =	vor.u32 v9, v17;
	v9 =	vld [tilespmem:s7+$0xFFFFFFD0];
	v15 =	vand.u32 $0xFFFF0000, v15;
	[tilespmem:s2+$0x30] =	vst v16  }
0x80: {  	v14 =	vand.u32 $0xFFFF0000, v14;
	v13 =	vadd.s32 $0x8000, v13;
	[tilespmem:s2+$0xFFFFFFD0] =	vst v17;
	v15 =	vor.u32 v7, v15;
	v7 =	vld [tilespmem:s7+$0xFFFFFFE0]  }
0x81: {  	v14 =	vor.u32 v6, v14;
	v13 =	vand.u32 $0xFFFF0000, v13;
	v12 =	vadd.s32 $0x8000, v12;
	[tilespmem:s2+$0xFFFFFFE0] =	vst v15;
	v6 =	vld [tilespmem:s7+$0xFFFFFFF0]  }
0x82: {  	v13 =	vor.u32 v5, v13;
	v12 =	vand.u32 $0xFFFF0000, v12;
	v10 =	vadd.s32 $0x8000, v10;
	[tilespmem:s2+$0xFFFFFFF0] =	vst v14;
	v5 =	vld [tilespmem:s7+$0x0]  }
0x83: {  	v11 =	vadd.s32 $0x8000, v11;
	v12 =	vor.u32 v4, v12;
	v10 =	vand.u32 $0xFFFF0000, v10;
	[tilespmem:s2+$0x0] =	vst v13;
	v4 =	vld [tilespmem:s7+$0x10]  }
0x84: {  	v11 =	vand.u32 $0xFFFF0000, v11;
	v10 =	vor.u32 v2, v10;
	[tilespmem:s2+$0x10] =	vst v12;
	v2 =	vld [tilespmem:s7+$0x20]  }
0x85: {  	v11 =	vor.u32 v3, v11;
	v3 =	vld [tilespmem:s7+$0xFFFFFFC0];
	[tilespmem:s2+$0x20] =	vst v10  }
0x86: {  	v16 =	vld.idx.msk [tilespmem:v8+s17+$0x0], $0xffff;
	[tilespmem:s2+$0xFFFFFFC0] =	vst v11;
	s2 =	smov.u32 s7  }
0x87: {  	v17 =	vld.idx.msk [tilespmem:v9+s17+$0x0], $0xffff  }
0x88: {  	v15 =	vld.idx.msk [tilespmem:v7+s17+$0x0], $0xffff  }
.Ltmp3:
0x89: {  	v14 =	vld.idx.msk [tilespmem:v6+s17+$0x0], $0xffff;
	(pc) =	sbr.rel @p0 .LBB2_8-.Ltmp3, $4  }
0x8a: {  	v13 =	vld.idx.msk [tilespmem:v5+s17+$0x0], $0xffff  }
0x8b: {  	v12 =	vld.idx.msk [tilespmem:v4+s17+$0x0], $0xffff  }
0x8c: {  	v16 =	vadd.s32 $0x8000, v16;
	v10 =	vld.idx.msk [tilespmem:v2+s17+$0x0], $0xffff  }
0x8d: {  	s7 =	sadd.s32 $0x80, s7;
	v17 =	vadd.s32 $0x8000, v17;
	v16 =	vand.u32 $0xFFFF0000, v16;
	v11 =	vld.idx.msk [tilespmem:v3+s17+$0x0], $0xffff  }
0x8e: {  	v17 =	vand.u32 $0xFFFF0000, v17;
	v15 =	vadd.s32 $0x8000, v15;
	v8 =	vor.u32 v8, v16  }
0x8f: {  	v14 =	vadd.s32 $0x8000, v14;
	v9 =	vor.u32 v9, v17;
	v15 =	vand.u32 $0xFFFF0000, v15;
	[tilespmem:s2+$0x30] =	vst v8  }
0x90: {  	v55 =	vand.u32 $0xFFFF0000, v14;
	v56 =	vadd.s32 $0x8000, v13;
	[tilespmem:s2+$0xFFFFFFD0] =	vst v9;
	v7 =	vor.u32 v7, v15  }
0x91: {  	v6 =	vor.u32 v6, v55;
	v57 =	vand.u32 $0xFFFF0000, v56;
	v58 =	vadd.s32 $0x8000, v12;
	[tilespmem:s2+$0xFFFFFFE0] =	vst v7  }
0x92: {  	[tilespmem:s2+$0xFFFFFFF0] =	vst v6;
	v5 =	vor.u32 v5, v57;
	v59 =	vand.u32 $0xFFFF0000, v58;
	v60 =	vadd.s32 $0x8000, v10  }
0x93: {  	v61 =	vadd.s32 $0x8000, v11;
	[tilespmem:s2+$0x0] =	vst v5;
	v4 =	vor.u32 v4, v59;
	v62 =	vand.u32 $0xFFFF0000, v60  }
0x94: {  	v63 =	vand.u32 $0xFFFF0000, v61;
	[tilespmem:s2+$0x10] =	vst v4;
	v2 =	vor.u32 v2, v62  }
0x95: {  	v3 =	vor.u32 v3, v63;
	[tilespmem:s2+$0x20] =	vst v2  }
0x96: {  	[tilespmem:s2+$0xFFFFFFC0] =	vst v3  }
0x97: {  	[tilespmem:s0+$0xFFFFFF90] =	vst v0  }
0x98: {  	[tilespmem:s0+$0x0] =	vst v0  }
0x99: {  	[tilespmem:s0+$0xFFFFFFF0] =	vst v0  }
0x9a: {  	[tilespmem:s0+$0xFFFFFFE0] =	vst v0  }
0x9b: {  	[tilespmem:s0+$0xFFFFFFD0] =	vst v0  }
0x9c: {  	[tilespmem:s0+$0xFFFFFFC0] =	vst v0  }
0x9d: {  	s2 =	simm.s32 $0x0;
	[tilespmem:s0+$0xFFFFFFB0] =	vst v0  }
.LBB2_10:
0x9e: {  	s2 =	sadd.s32 $0x8, s2;
	[tilespmem:s0+$0xFFFFFFA0] =	vst v0;
	s0 =	sadd.s32 $0x80, s0  }
0x9f: {  	[tilespmem:s0+$0xFFFFFF90] =	vst v0;
	p0 =	slt.u32 s2, $0x7F8  }
0xa0: {  	[tilespmem:s0+$0x0] =	vst v0  }
.Ltmp4:
0xa1: {  	[tilespmem:s0+$0xFFFFFFF0] =	vst v0;
	(pc) =	sbr.rel @p0 .LBB2_10-.Ltmp4, $4  }
0xa2: {  	[tilespmem:s0+$0xFFFFFFE0] =	vst v0  }
0xa3: {  	[tilespmem:s0+$0xFFFFFFD0] =	vst v0  }
0xa4: {  	[tilespmem:s0+$0xFFFFFFC0] =	vst v0  }
0xa5: {  	[tilespmem:s0+$0xFFFFFFB0] =	vst v0  }
0xa6: {  	[tilespmem:s0+$0xFFFFFFA0] =	vst v0  }
0xa7: {  	s26 =	simm.s32 $0x0;
	s0 =	rddreg [dreg:$0x4]  }
0xa8: {  	[tilespmem:s18], [sflag:$0x1] =	stream.strided.gather [hbm4b:s0+s14], $0x2000, s15, s14, $0x38;
	[tilespmem:$0x1C000] =	vst v63  }
.LBB2_12:
0xa9: {  	s28 =	sshll.u32 s26, $0x1  }
0xaa: {  	s0 =	sor.u32 s6, s28  }
0xab: {  	s2 =	sshll.u32 s26, $0x8;
	s0 =	sshll.u32 s0, $0xF  }
0xac: {  	s31 =	sand.u32 $0x300, s2;
	s30 =	sand.u32 $0x7FFC0000, s0  }
0xad: {  	s2 =	sor.u32 s31, s30  }
0xae: {  	s29 =	sshrl.u32 s2, $0x3  }
0xaf: {  	s2 =	sadd.s32 s29, s9  }
0xb0: {  	[tilespmem:s19], [sflag:$0x2] =	stream.strided.gather [hbm4b:s2+s14], $0x2000, s15, s14, $0x38;
	[tilespmem:$0x1C000] =	vst v63  }
0xb1: {  	_ =	swait.ge [sflag:s20], $0x2000  }
0xb2: {  	[sflag:s20] =	ssyncset.done $0x0  }
0xb3: {  	s3 =	simm.s32 $0x40;
	[sflag:s20] =	ssyncadd.s32 $0xFFFFE000  }
0xb4: {  	v2 =	vld [tilespmem:s3+$0x30]  }
0xb5: {  	v3 =	vld [tilespmem:s3+$0xFFFFFFD0]  }
0xb6: {  	s2 =	simm.s32 $0x18040;
	v4 =	vld [tilespmem:s3+$0xFFFFFFE0]  }
0xb7: {  	v5 =	vld [tilespmem:s2+$0x30]  }
0xb8: {  	v6 =	vld [tilespmem:s3+$0xFFFFFFF0]  }
0xb9: {  	v7 =	vld [tilespmem:s3+$0x0]  }
0xba: {  	v9 =	vld [tilespmem:s3+$0x10];
	v8 =	vand.u32 $0xFFFF, v2  }
0xbb: {  	v10 =	vld [tilespmem:s3+$0xFFFFFFC0]  }
0xbc: {  	v11 =	vld [tilespmem:s3+$0x20];
	v2 =	vand.u32 $0xFFFF0000, v2  }
0xbd: {  	v61 =	vld [tilespmem:s2+$0xFFFFFFE0];
	v2 =	vmul.f32 v2, v5  }
0xbe: {  	v5 =	vld [tilespmem:s2+$0xFFFFFFC0]  }
0xbf: {  	v15 =	vand.u32 $0xFFFF, v4;
	[tilespmem:v8+s21+$0x0] =	vst.idx.add.f32.msk $0xffff, v2  }
0xc0: {  	v2 =	vld [tilespmem:s2+$0xFFFFFFD0]  }
0xc1: {  	v14 =	vld [tilespmem:s2+$0xFFFFFFF0];
	v12 =	vand.u32 $0xFFFF, v10;
	v4 =	vand.u32 $0xFFFF0000, v4  }
0xc2: {  	v16 =	vld [tilespmem:s2+$0x0];
	v13 =	vand.u32 $0xFFFF, v3;
	v4 =	vmul.f32 v4, v61  }
0xc3: {  	v62 =	vld [tilespmem:s2+$0x10];
	v10 =	vand.u32 $0xFFFF0000, v10;
	v17 =	vand.u32 $0xFFFF, v6  }
0xc4: {  	v3 =	vand.u32 $0xFFFF0000, v3;
	v18 =	vand.u32 $0xFFFF, v7;
	[tilespmem:v15+s21+$0x0] =	vst.idx.add.f32.msk $0xffff, v4;
	v5 =	vmul.f32 v10, v5  }
0xc5: {  	v6 =	vand.u32 $0xFFFF0000, v6;
	v19 =	vand.u32 $0xFFFF, v9;
	v2 =	vmul.f32 v3, v2;
	v3 =	vld [tilespmem:s2+$0x20]  }
0xc6: {  	v6 =	vmul.f32 v6, v14;
	[tilespmem:v12+s21+$0x0] =	vst.idx.add.f32.msk $0xffff, v5;
	v5 =	vand.u32 $0xFFFF0000, v7  }
0xc7: {  	v5 =	vmul.f32 v5, v16;
	[tilespmem:v13+s21+$0x0] =	vst.idx.add.f32.msk $0xffff, v2;
	v2 =	vand.u32 $0xFFFF0000, v9  }
0xc8: {  	[tilespmem:v17+s21+$0x0] =	vst.idx.add.f32.msk $0xffff, v6;
	v4 =	vmul.f32 v2, v62  }
0xc9: {  	v63 =	vand.u32 $0xFFFF0000, v11;
	[tilespmem:v18+s21+$0x0] =	vst.idx.add.f32.msk $0xffff, v5  }
0xca: {  	s7 =	simm.s32 $0xC0;
	s3 =	simm.s32 $0x0;
	v2 =	vand.u32 $0xFFFF, v11;
	v3 =	vmul.f32 v63, v3;
	[tilespmem:v19+s21+$0x0] =	vst.idx.add.f32.msk $0xffff, v4  }
.LBB2_13:
0xcb: {  	v4 =	vld [tilespmem:s7+$0x30];
	s3 =	sadd.s32 $0x8, s3  }
0xcc: {  	v5 =	vld [tilespmem:s7+$0xFFFFFFD0];
	p0 =	slt.u32 s3, $0x1F8  }
0xcd: {  	s2 =	sadd.s32 $0x80, s2;
	v6 =	vld [tilespmem:s7+$0xFFFFFFE0]  }
0xce: {  	v7 =	vld [tilespmem:s2+$0x30]  }
0xcf: {  	v8 =	vld [tilespmem:s7+$0xFFFFFFF0]  }
0xd0: {  	v9 =	vld [tilespmem:s7+$0x0];
	v10 =	vand.u32 $0xFFFF, v4  }
0xd1: {  	v11 =	vand.u32 $0xFFFF0000, v5;
	v5 =	vand.u32 $0xFFFF, v5;
	v12 =	vld [tilespmem:s7+$0x10]  }
0xd2: {  	v4 =	vand.u32 $0xFFFF0000, v4;
	v13 =	vand.u32 $0xFFFF0000, v6;
	v6 =	vand.u32 $0xFFFF, v6;
	v14 =	vld [tilespmem:s7+$0x20]  }
0xd3: {  	v15 =	vld [tilespmem:s7+$0xFFFFFFC0];
	v4 =	vmul.f32 v4, v7  }
0xd4: {  	v7 =	vld [tilespmem:s2+$0xFFFFFFC0];
	v16 =	vand.u32 $0xFFFF0000, v8;
	v8 =	vand.u32 $0xFFFF, v8  }
0xd5: {  	v17 =	vand.u32 $0xFFFF0000, v9;
	v9 =	vand.u32 $0xFFFF, v9;
	[tilespmem:v10+s21+$0x0] =	vst.idx.add.f32.msk $0xffff, v4  }
0xd6: {  	v4 =	vld [tilespmem:s2+$0xFFFFFFD0];
	v10 =	vand.u32 $0xFFFF0000, v12;
	v12 =	vand.u32 $0xFFFF, v12  }
0xd7: {  	v18 =	vld [tilespmem:s2+$0xFFFFFFE0];
	v19 =	vand.u32 $0xFFFF0000, v14;
	v14 =	vand.u32 $0xFFFF, v14  }
0xd8: {  	v20 =	vand.u32 $0xFFFF0000, v15;
	v15 =	vand.u32 $0xFFFF, v15;
	v21 =	vld [tilespmem:s2+$0xFFFFFFF0]  }
0xd9: {  	v7 =	vmul.f32 v20, v7;
	v20 =	vld [tilespmem:s2+$0x0]  }
0xda: {  	v22 =	vld [tilespmem:s2+$0x10]  }
0xdb: {  	v4 =	vmul.f32 v11, v4;
	v11 =	vld [tilespmem:s2+$0x20]  }
0xdc: {  	v13 =	vmul.f32 v13, v18;
	[tilespmem:v2+s21+$0x0] =	vst.idx.add.f32.msk $0xffff, v3;
	v2 =	vmov v14  }
0xdd: {  	[tilespmem:v15+s21+$0x0] =	vst.idx.add.f32.msk $0xffff, v7;
	v3 =	vmul.f32 v16, v21  }
.Ltmp5:
0xde: {  	[tilespmem:v5+s21+$0x0] =	vst.idx.add.f32.msk $0xffff, v4;
	v4 =	vmul.f32 v17, v20;
	(pc) =	sbr.rel @p0 .LBB2_13-.Ltmp5, $4  }
0xdf: {  	[tilespmem:v6+s21+$0x0] =	vst.idx.add.f32.msk $0xffff, v13;
	v5 =	vmul.f32 v10, v22  }
0xe0: {  	[tilespmem:v8+s21+$0x0] =	vst.idx.add.f32.msk $0xffff, v3;
	v3 =	vmul.f32 v19, v11  }
0xe1: {  	[tilespmem:v9+s21+$0x0] =	vst.idx.add.f32.msk $0xffff, v4  }
0xe2: {  	s7 =	sadd.s32 $0x80, s7;
	[tilespmem:v12+s21+$0x0] =	vst.idx.add.f32.msk $0xffff, v5  }
0xe3: {  	_ =	sdelay $0x3  }
0xe4: {  	[tilespmem:v2+s21+$0x0] =	vst.idx.add.f32.msk $0xffff, v3;
	s2 =	sadd.s32 s29, s10  }
0xe5: {  	[tilespmem:s18], [sflag:$0x1] =	stream.strided.gather [hbm4b:s2+s14], $0x2000, s15, s14, $0x38;
	[tilespmem:$0x1C000] =	vst v63  }
0xe6: {  	_ =	swait.ge [sflag:s22], $0x2000  }
0xe7: {  	[sflag:s22] =	ssyncset.done $0x0  }
0xe8: {  	s3 =	simm.s32 $0x2070;
	[sflag:s22] =	ssyncadd.s32 $0xFFFFE000  }
0xe9: {  	v2 =	vld [tilespmem:s3+$0x0]  }
0xea: {  	v3 =	vld [tilespmem:s3+$0xFFFFFFA0]  }
0xeb: {  	s2 =	simm.s32 $0x1A070;
	v4 =	vld [tilespmem:s3+$0xFFFFFFB0]  }
0xec: {  	v5 =	vld [tilespmem:s2+$0x0]  }
0xed: {  	v6 =	vld [tilespmem:s3+$0xFFFFFFC0]  }
0xee: {  	v7 =	vld [tilespmem:s3+$0xFFFFFFD0]  }
0xef: {  	v9 =	vld [tilespmem:s3+$0xFFFFFFE0];
	v8 =	vand.u32 $0xFFFF, v2  }
0xf0: {  	v10 =	vld [tilespmem:s3+$0xFFFFFF90]  }
0xf1: {  	v11 =	vld [tilespmem:s3+$0xFFFFFFF0];
	v2 =	vand.u32 $0xFFFF0000, v2  }
0xf2: {  	v61 =	vld [tilespmem:s2+$0xFFFFFFB0];
	v2 =	vmul.f32 v2, v5  }
0xf3: {  	v5 =	vld [tilespmem:s2+$0xFFFFFF90]  }
0xf4: {  	v15 =	vand.u32 $0xFFFF, v4;
	[tilespmem:v8+s21+$0x0] =	vst.idx.add.f32.msk $0xffff, v2  }
0xf5: {  	v2 =	vld [tilespmem:s2+$0xFFFFFFA0]  }
0xf6: {  	v14 =	vld [tilespmem:s2+$0xFFFFFFC0];
	v12 =	vand.u32 $0xFFFF, v10;
	v4 =	vand.u32 $0xFFFF0000, v4  }
0xf7: {  	v16 =	vld [tilespmem:s2+$0xFFFFFFD0];
	v13 =	vand.u32 $0xFFFF, v3;
	v4 =	vmul.f32 v4, v61  }
0xf8: {  	v62 =	vld [tilespmem:s2+$0xFFFFFFE0];
	v10 =	vand.u32 $0xFFFF0000, v10;
	v17 =	vand.u32 $0xFFFF, v6  }
0xf9: {  	v3 =	vand.u32 $0xFFFF0000, v3;
	v18 =	vand.u32 $0xFFFF, v7;
	[tilespmem:v15+s21+$0x0] =	vst.idx.add.f32.msk $0xffff, v4;
	v5 =	vmul.f32 v10, v5  }
0xfa: {  	v6 =	vand.u32 $0xFFFF0000, v6;
	v19 =	vand.u32 $0xFFFF, v9;
	v2 =	vmul.f32 v3, v2;
	v3 =	vld [tilespmem:s2+$0xFFFFFFF0]  }
0xfb: {  	v6 =	vmul.f32 v6, v14;
	[tilespmem:v12+s21+$0x0] =	vst.idx.add.f32.msk $0xffff, v5;
	v5 =	vand.u32 $0xFFFF0000, v7  }
0xfc: {  	v5 =	vmul.f32 v5, v16;
	[tilespmem:v13+s21+$0x0] =	vst.idx.add.f32.msk $0xffff, v2;
	v2 =	vand.u32 $0xFFFF0000, v9  }
0xfd: {  	[tilespmem:v17+s21+$0x0] =	vst.idx.add.f32.msk $0xffff, v6;
	v4 =	vmul.f32 v2, v62  }
0xfe: {  	v63 =	vand.u32 $0xFFFF0000, v11;
	[tilespmem:v18+s21+$0x0] =	vst.idx.add.f32.msk $0xffff, v5  }
0xff: {  	s7 =	simm.s32 $0x20F0;
	s3 =	simm.s32 $0x0;
	v2 =	vand.u32 $0xFFFF, v11;
	v3 =	vmul.f32 v63, v3;
	[tilespmem:v19+s21+$0x0] =	vst.idx.add.f32.msk $0xffff, v4  }
.LBB2_15:
0x100: {  	v4 =	vld [tilespmem:s7+$0x0];
	s3 =	sadd.s32 $0x8, s3  }
0x101: {  	v5 =	vld [tilespmem:s7+$0xFFFFFFA0];
	p0 =	slt.u32 s3, $0x1F8  }
0x102: {  	s2 =	sadd.s32 $0x80, s2;
	v6 =	vld [tilespmem:s7+$0xFFFFFFB0]  }
0x103: {  	v7 =	vld [tilespmem:s2+$0x0]  }
0x104: {  	v8 =	vld [tilespmem:s7+$0xFFFFFFC0]  }
0x105: {  	v9 =	vld [tilespmem:s7+$0xFFFFFFD0];
	v10 =	vand.u32 $0xFFFF, v4  }
0x106: {  	v11 =	vand.u32 $0xFFFF0000, v5;
	v5 =	vand.u32 $0xFFFF, v5;
	v12 =	vld [tilespmem:s7+$0xFFFFFFE0]  }
0x107: {  	v4 =	vand.u32 $0xFFFF0000, v4;
	v13 =	vand.u32 $0xFFFF0000, v6;
	v6 =	vand.u32 $0xFFFF, v6;
	v14 =	vld [tilespmem:s7+$0xFFFFFFF0]  }
0x108: {  	v15 =	vld [tilespmem:s7+$0xFFFFFF90];
	v4 =	vmul.f32 v4, v7  }
0x109: {  	v7 =	vld [tilespmem:s2+$0xFFFFFF90];
	v16 =	vand.u32 $0xFFFF0000, v8;
	v8 =	vand.u32 $0xFFFF, v8  }
0x10a: {  	v17 =	vand.u32 $0xFFFF0000, v9;
	v9 =	vand.u32 $0xFFFF, v9;
	[tilespmem:v10+s21+$0x0] =	vst.idx.add.f32.msk $0xffff, v4  }
0x10b: {  	v4 =	vld [tilespmem:s2+$0xFFFFFFA0];
	v10 =	vand.u32 $0xFFFF0000, v12;
	v12 =	vand.u32 $0xFFFF, v12  }
0x10c: {  	v18 =	vld [tilespmem:s2+$0xFFFFFFB0];
	v19 =	vand.u32 $0xFFFF0000, v14;
	v14 =	vand.u32 $0xFFFF, v14  }
0x10d: {  	v20 =	vand.u32 $0xFFFF0000, v15;
	v15 =	vand.u32 $0xFFFF, v15;
	v21 =	vld [tilespmem:s2+$0xFFFFFFC0]  }
0x10e: {  	v7 =	vmul.f32 v20, v7;
	v20 =	vld [tilespmem:s2+$0xFFFFFFD0]  }
0x10f: {  	v22 =	vld [tilespmem:s2+$0xFFFFFFE0]  }
0x110: {  	v4 =	vmul.f32 v11, v4;
	v11 =	vld [tilespmem:s2+$0xFFFFFFF0]  }
0x111: {  	v13 =	vmul.f32 v13, v18;
	[tilespmem:v2+s21+$0x0] =	vst.idx.add.f32.msk $0xffff, v3;
	v2 =	vmov v14  }
0x112: {  	[tilespmem:v15+s21+$0x0] =	vst.idx.add.f32.msk $0xffff, v7;
	v3 =	vmul.f32 v16, v21  }
.Ltmp6:
0x113: {  	[tilespmem:v5+s21+$0x0] =	vst.idx.add.f32.msk $0xffff, v4;
	v4 =	vmul.f32 v17, v20;
	(pc) =	sbr.rel @p0 .LBB2_15-.Ltmp6, $4  }
0x114: {  	[tilespmem:v6+s21+$0x0] =	vst.idx.add.f32.msk $0xffff, v13;
	v5 =	vmul.f32 v10, v22  }
0x115: {  	[tilespmem:v8+s21+$0x0] =	vst.idx.add.f32.msk $0xffff, v3;
	v3 =	vmul.f32 v19, v11  }
0x116: {  	[tilespmem:v9+s21+$0x0] =	vst.idx.add.f32.msk $0xffff, v4  }
0x117: {  	s7 =	sadd.s32 $0x80, s7;
	[tilespmem:v12+s21+$0x0] =	vst.idx.add.f32.msk $0xffff, v5  }
0x118: {  	_ = 	snop  }
0x119: {  	s0 =	sor.u32 s31, s0  }
0x11a: {  	s0 =	sshrl.u32 s0, $0x3  }
0x11b: {  	s0 =	sor.u32 $0x6000, s0  }
0x11c: {  	[tilespmem:v2+s21+$0x0] =	vst.idx.add.f32.msk $0xffff, v3;
	p0 =	seq.s32 s26, $0x0;
	s0 =	sadd.s32 s1, s0  }
0x11d: {  	[tilespmem:s19], [sflag:$0x2] =	stream.strided.gather [hbm4b:s0+s14], $0x2000, s15, s14, $0x38;
	[tilespmem:$0x1C000] =	vst v63  }
0x11e: {  	s0 =	simm.s32 @!p0 $0x4  }
0x11f: {  	_ =	swait.ge @!p0 [sflag:s0], $0x8000  }
0x120: {  	[sflag:s0] =	ssyncset.done @!p0 $0x0  }
0x121: {  	[sflag:s0] =	ssyncadd.s32 @!p0 $0xFFFF8000  }
0x122: {  	_ =	swait.ge [sflag:s20], $0x2000  }
0x123: {  	[sflag:s20] =	ssyncset.done $0x0  }
0x124: {  	s29 =	simm.s32 $0x0;
	[sflag:s20] =	ssyncadd.s32 $0xFFFFE000  }
0x125: {  	v4 =	vld [tilespmem:s29+$0x18070]  }
0x126: {  	v3 =	vld [tilespmem:s29+$0x18060]  }
0x127: {  	v7 =	vld [tilespmem:s29+$0x18040]  }
0x128: {  	v5 =	vld [tilespmem:s29+$0x18010]  }
0x129: {  	v2 =	vld [tilespmem:s29+$0x4070]  }
0x12a: {  	v9 =	vld [tilespmem:s29+$0x4040]  }
0x12b: {  	v6 =	vld [tilespmem:s29+$0x4060]  }
0x12c: {  	v8 =	vld [tilespmem:s29+$0x4010]  }
0x12d: {  	v10 =	vld [tilespmem:s29+$0x4000]  }
0x12e: {  	v11 =	vld [tilespmem:s29+$0x4030]  }
0x12f: {  	v12 =	vld [tilespmem:s29+$0x4020]  }
0x130: {  	v13 =	vld [tilespmem:s29+$0x18020];
	v14 =	vand.u32 $0xFFFF, v6  }
0x131: {  	v15 =	vld [tilespmem:s29+$0x18030];
	v16 =	vand.u32 $0xFFFF, v2  }
0x132: {  	v17 =	vld [tilespmem:s29+$0x18000];
	v6 =	vand.u32 $0xFFFF0000, v6;
	v18 =	vand.u32 $0xFFFF, v8  }
0x133: {  	v19 =	vand.u32 $0xFFFF0000, v2;
	v20 =	vand.u32 $0xFFFF, v11;
	v2 =	vld [tilespmem:s29+$0x18050];
	v6 =	vmul.f32 v6, v3  }
0x134: {  	v8 =	vand.u32 $0xFFFF0000, v8;
	v3 =	vld [tilespmem:s29+$0x4050];
	v19 =	vmul.f32 v19, v4;
	v4 =	vand.u32 $0xFFFF, v10  }
0x135: {  	v5 =	vmul.f32 v8, v5;
	v8 =	vand.u32 $0xFFFF0000, v11;
	[tilespmem:v14+s21+$0x0] =	vst.idx.add.f32.msk $0xffff, v6;
	v6 =	vand.u32 $0xFFFF, v12  }
0x136: {  	v10 =	vand.u32 $0xFFFF0000, v10;
	v11 =	vmul.f32 v8, v15;
	[tilespmem:v16+s21+$0x0] =	vst.idx.add.f32.msk $0xffff, v19  }
0x137: {  	s3 =	simm.s32 $0x0;
	v63 =	vand.u32 $0xFFFF0000, v9;
	v8 =	vmul.f32 v10, v17;
	v12 =	vand.u32 $0xFFFF0000, v12;
	[tilespmem:v18+s21+$0x0] =	vst.idx.add.f32.msk $0xffff, v5  }
0x138: {  	s7 =	simm.s32 $0x200;
	s2 =	simm.s32 $0x100F0;
	s0 =	simm.s32 $0x100F0;
	v7 =	vmul.f32 v63, v7;
	v5 =	vand.u32 $0xFFFF, v9;
	[tilespmem:v20+s21+$0x0] =	vst.idx.add.f32.msk $0xffff, v11;
	v9 =	vmul.f32 v12, v13  }
.LBB2_17:
0x139: {  	s8 =	sshra.s32 s7, $0x2;
	s3 =	sadd.s32 $0x8, s3;
	[tilespmem:v4+s21+$0x0] =	vst.idx.add.f32.msk $0xffff, v8;
	s0 =	sadd.s32 $0x100, s0  }
0x13a: {  	p0 =	slt.u32 s3, $0x1F8;
	[tilespmem:v6+s21+$0x0] =	vst.idx.add.f32.msk $0xffff, v9  }
0x13b: {  	v8 =	vld [tilespmem:s8+$0x18070];
	[tilespmem:s2+$0xFFFFFF60] =	vst v0  }
0x13c: {  	v6 =	vld [tilespmem:s8+$0x18060];
	[tilespmem:s2+$0xFFFFFF10] =	vst v0  }
0x13d: {  	v9 =	vld [tilespmem:s8+$0x18040];
	[tilespmem:s2+$0xFFFFFF50] =	vst v0  }
0x13e: {  	v10 =	vld [tilespmem:s8+$0x18010];
	[tilespmem:s2+$0xFFFFFF20] =	vst v0  }
0x13f: {  	v11 =	vld [tilespmem:s8+$0x4070];
	[tilespmem:s2+$0xFFFFFFE0] =	vst v0  }
0x140: {  	[tilespmem:v5+s21+$0x0] =	vst.idx.add.f32.msk $0xffff, v7  }
0x141: {  	v5 =	vld [tilespmem:s8+$0x4040];
	[tilespmem:s2+$0xFFFFFFF0] =	vst v0  }
0x142: {  	v7 =	vld [tilespmem:s8+$0x4010];
	[tilespmem:s2+$0xFFFFFFD0] =	vst v0  }
0x143: {  	v4 =	vld [tilespmem:s8+$0x4060];
	[tilespmem:s2+$0x0] =	vst v0  }
0x144: {  	v12 =	vld [tilespmem:s8+$0x4000];
	[tilespmem:s2+$0xFFFFFF90] =	vst v0  }
0x145: {  	v14 =	vand.u32 $0xFFFF, v3;
	v13 =	vld [tilespmem:s8+$0x4020];
	[tilespmem:s2+$0xFFFFFFA0] =	vst v0  }
0x146: {  	v15 =	vld [tilespmem:s8+$0x4030];
	[tilespmem:s2+$0xFFFFFF30] =	vst v0  }
0x147: {  	v3 =	vand.u32 $0xFFFF0000, v3;
	v16 =	vld [tilespmem:s8+$0x18020];
	[tilespmem:s2+$0xFFFFFF40] =	vst v0  }
0x148: {  	v2 =	vmul.f32 v3, v2;
	v17 =	vld [tilespmem:s8+$0x18000];
	v18 =	vand.u32 $0xFFFF0000, v4;
	v19 =	vand.u32 $0xFFFF, v4;
	[tilespmem:s2+$0xFFFFFF70] =	vst v0  }
0x149: {  	v21 =	vand.u32 $0xFFFF0000, v11;
	v11 =	vand.u32 $0xFFFF, v11;
	v4 =	vand.u32 $0xFFFF, v12;
	v20 =	vld [tilespmem:s8+$0x18030];
	[tilespmem:s2+$0xFFFFFF80] =	vst v0  }
0x14a: {  	v22 =	vand.u32 $0xFFFF0000, v7;
	v7 =	vand.u32 $0xFFFF, v7;
	v12 =	vand.u32 $0xFFFF0000, v12;
	[tilespmem:v14+s21+$0x0] =	vst.idx.add.f32.msk $0xffff, v2  }
0x14b: {  	v18 =	vmul.f32 v18, v6;
	v14 =	vand.u32 $0xFFFF, v15;
	v2 =	vld [tilespmem:s8+$0x18050];
	[tilespmem:s2+$0xFFFFFFB0] =	vst v0  }
.Ltmp7:
0x14c: {  	v8 =	vmul.f32 v21, v8;
	v6 =	vand.u32 $0xFFFF, v13;
	v3 =	vld [tilespmem:s8+$0x4050];
	[tilespmem:s2+$0xFFFFFFC0] =	vst v0;
	s2 =	smov.u32 s0;
	(pc) =	sbr.rel @p0 .LBB2_17-.Ltmp7, $4  }
0x14d: {  	v10 =	vmul.f32 v22, v10;
	v13 =	vand.u32 $0xFFFF0000, v13;
	v15 =	vand.u32 $0xFFFF0000, v15;
	[tilespmem:v19+s21+$0x0] =	vst.idx.add.f32.msk $0xffff, v18  }
0x14e: {  	v18 =	vand.u32 $0xFFFF0000, v5;
	v5 =	vand.u32 $0xFFFF, v5;
	v15 =	vmul.f32 v15, v20;
	[tilespmem:v11+s21+$0x0] =	vst.idx.add.f32.msk $0xffff, v8  }
0x14f: {  	v8 =	vmul.f32 v12, v17;
	[tilespmem:v7+s21+$0x0] =	vst.idx.add.f32.msk $0xffff, v10;
	v7 =	vmul.f32 v18, v9  }
0x150: {  	s7 =	sadd.s32 $0x200, s7;
	v9 =	vmul.f32 v13, v16;
	[tilespmem:v14+s21+$0x0] =	vst.idx.add.f32.msk $0xffff, v15  }
0x151: {  	_ =	sdelay $0x3  }
0x152: {  	[tilespmem:v4+s21+$0x0] =	vst.idx.add.f32.msk $0xffff, v8  }
0x153: {  	[tilespmem:s2+$0xFFFFFFE0] =	vst v0  }
0x154: {  	[tilespmem:v5+s21+$0x0] =	vst.idx.add.f32.msk $0xffff, v7  }
0x155: {  	[tilespmem:s2+$0xFFFFFFF0] =	vst v0  }
0x156: {  	[tilespmem:s2+$0xFFFFFFD0] =	vst v0  }
0x157: {  	[tilespmem:s2+$0x0] =	vst v0  }
0x158: {  	[tilespmem:s2+$0xFFFFFF30] =	vst v0  }
0x159: {  	[tilespmem:s2+$0xFFFFFF40] =	vst v0  }
0x15a: {  	[tilespmem:s2+$0xFFFFFF70] =	vst v0  }
0x15b: {  	[tilespmem:s2+$0xFFFFFF80] =	vst v0  }
0x15c: {  	[tilespmem:v6+s21+$0x0] =	vst.idx.add.f32.msk $0xffff, v9  }
0x15d: {  	[tilespmem:s2+$0xFFFFFF10] =	vst v0  }
0x15e: {  	v4 =	vand.u32 $0xFFFF, v3;
	[tilespmem:s2+$0xFFFFFF20] =	vst v0  }
0x15f: {  	[tilespmem:s2+$0xFFFFFF90] =	vst v0  }
0x160: {  	v3 =	vand.u32 $0xFFFF0000, v3;
	[tilespmem:s2+$0xFFFFFFA0] =	vst v0  }
0x161: {  	v2 =	vmul.f32 v3, v2;
	[tilespmem:s2+$0xFFFFFF60] =	vst v0  }
0x162: {  	s29 =	sor.u32 $0x80, s31;
	[tilespmem:s2+$0xFFFFFF50] =	vst v0  }
0x163: {  	s0 =	sor.u32 s29, s30;
	[tilespmem:v4+s21+$0x0] =	vst.idx.add.f32.msk $0xffff, v2  }
0x164: {  	s0 =	sshrl.u32 s0, $0x3;
	[tilespmem:s2+$0xFFFFFFB0] =	vst v0  }
0x165: {  	s16 =	sadd.s32 s1, s0;
	[tilespmem:s2+$0xFFFFFFC0] =	vst v0  }
0x166: {  	[tilespmem:s18], [sflag:$0x1] =	stream.strided.gather [hbm4b:s16+s14], $0x2000, s15, s14, $0x38;
	[tilespmem:$0x1C000] =	vst v63  }
0x167: {  	_ =	swait.ge [sflag:s22], $0x2000  }
0x168: {  	[sflag:s22] =	ssyncset.done $0x0  }
0x169: {  	s30 =	simm.s32 $0x0;
	[sflag:s22] =	ssyncadd.s32 $0xFFFFE000  }
0x16a: {  	v4 =	vld [tilespmem:s30+$0x1A070]  }
0x16b: {  	v3 =	vld [tilespmem:s30+$0x1A060]  }
0x16c: {  	v7 =	vld [tilespmem:s30+$0x1A040]  }
0x16d: {  	v5 =	vld [tilespmem:s30+$0x1A010]  }
0x16e: {  	v2 =	vld [tilespmem:s30+$0x6070]  }
0x16f: {  	v9 =	vld [tilespmem:s30+$0x6040]  }
0x170: {  	v6 =	vld [tilespmem:s30+$0x6060]  }
0x171: {  	v8 =	vld [tilespmem:s30+$0x6010]  }
0x172: {  	v10 =	vld [tilespmem:s30+$0x6000]  }
0x173: {  	v11 =	vld [tilespmem:s30+$0x6030]  }
0x174: {  	v12 =	vld [tilespmem:s30+$0x6020]  }
0x175: {  	v13 =	vld [tilespmem:s30+$0x1A020];
	v14 =	vand.u32 $0xFFFF, v6  }
0x176: {  	v15 =	vld [tilespmem:s30+$0x1A030];
	v16 =	vand.u32 $0xFFFF, v2  }
0x177: {  	v17 =	vld [tilespmem:s30+$0x1A000];
	v6 =	vand.u32 $0xFFFF0000, v6;
	v18 =	vand.u32 $0xFFFF, v8  }
0x178: {  	v19 =	vand.u32 $0xFFFF0000, v2;
	v20 =	vand.u32 $0xFFFF, v11;
	v2 =	vld [tilespmem:s30+$0x1A050];
	v6 =	vmul.f32 v6, v3  }
0x179: {  	v8 =	vand.u32 $0xFFFF0000, v8;
	v3 =	vld [tilespmem:s30+$0x6050];
	v19 =	vmul.f32 v19, v4;
	v4 =	vand.u32 $0xFFFF, v10  }
0x17a: {  	v5 =	vmul.f32 v8, v5;
	v8 =	vand.u32 $0xFFFF0000, v11;
	[tilespmem:v14+s21+$0x0] =	vst.idx.add.f32.msk $0xffff, v6;
	v6 =	vand.u32 $0xFFFF, v12  }
0x17b: {  	v10 =	vand.u32 $0xFFFF0000, v10;
	v11 =	vmul.f32 v8, v15;
	[tilespmem:v16+s21+$0x0] =	vst.idx.add.f32.msk $0xffff, v19  }
0x17c: {  	s3 =	simm.s32 $0x140F0;
	v63 =	vand.u32 $0xFFFF0000, v9;
	v8 =	vmul.f32 v10, v17;
	v12 =	vand.u32 $0xFFFF0000, v12;
	[tilespmem:v18+s21+$0x0] =	vst.idx.add.f32.msk $0xffff, v5  }
0x17d: {  	s7 =	simm.s32 $0x0;
	s8 =	simm.s32 $0x200;
	s2 =	simm.s32 $0x140F0;
	v7 =	vmul.f32 v63, v7;
	v5 =	vand.u32 $0xFFFF, v9;
	[tilespmem:v20+s21+$0x0] =	vst.idx.add.f32.msk $0xffff, v11;
	v9 =	vmul.f32 v12, v13  }
.LBB2_19:
0x17e: {  	s13 =	sshra.s32 s8, $0x2;
	s7 =	sadd.s32 $0x8, s7;
	[tilespmem:v4+s21+$0x0] =	vst.idx.add.f32.msk $0xffff, v8;
	s3 =	sadd.s32 $0x100, s3  }
0x17f: {  	p0 =	slt.u32 s7, $0x1F8;
	[tilespmem:v6+s21+$0x0] =	vst.idx.add.f32.msk $0xffff, v9  }
0x180: {  	v8 =	vld [tilespmem:s13+$0x1A070];
	[tilespmem:s2+$0xFFFFFF60] =	vst v0  }
0x181: {  	v6 =	vld [tilespmem:s13+$0x1A060];
	[tilespmem:s2+$0xFFFFFF10] =	vst v0  }
0x182: {  	v9 =	vld [tilespmem:s13+$0x1A040];
	[tilespmem:s2+$0xFFFFFF50] =	vst v0  }
0x183: {  	v10 =	vld [tilespmem:s13+$0x1A010];
	[tilespmem:s2+$0xFFFFFF20] =	vst v0  }
0x184: {  	v11 =	vld [tilespmem:s13+$0x6070];
	[tilespmem:s2+$0xFFFFFFE0] =	vst v0  }
0x185: {  	[tilespmem:v5+s21+$0x0] =	vst.idx.add.f32.msk $0xffff, v7  }
0x186: {  	v5 =	vld [tilespmem:s13+$0x6040];
	[tilespmem:s2+$0xFFFFFFF0] =	vst v0  }
0x187: {  	v7 =	vld [tilespmem:s13+$0x6010];
	[tilespmem:s2+$0xFFFFFFD0] =	vst v0  }
0x188: {  	v4 =	vld [tilespmem:s13+$0x6060];
	[tilespmem:s2+$0x0] =	vst v0  }
0x189: {  	v12 =	vld [tilespmem:s13+$0x6000];
	[tilespmem:s2+$0xFFFFFF90] =	vst v0  }
0x18a: {  	v14 =	vand.u32 $0xFFFF, v3;
	v13 =	vld [tilespmem:s13+$0x6020];
	[tilespmem:s2+$0xFFFFFFA0] =	vst v0  }
0x18b: {  	v15 =	vld [tilespmem:s13+$0x6030];
	[tilespmem:s2+$0xFFFFFF30] =	vst v0  }
0x18c: {  	v3 =	vand.u32 $0xFFFF0000, v3;
	v16 =	vld [tilespmem:s13+$0x1A020];
	[tilespmem:s2+$0xFFFFFF40] =	vst v0  }
0x18d: {  	v2 =	vmul.f32 v3, v2;
	v17 =	vld [tilespmem:s13+$0x1A000];
	v18 =	vand.u32 $0xFFFF0000, v4;
	v19 =	vand.u32 $0xFFFF, v4;
	[tilespmem:s2+$0xFFFFFF70] =	vst v0  }
0x18e: {  	v21 =	vand.u32 $0xFFFF0000, v11;
	v11 =	vand.u32 $0xFFFF, v11;
	v4 =	vand.u32 $0xFFFF, v12;
	v20 =	vld [tilespmem:s13+$0x1A030];
	[tilespmem:s2+$0xFFFFFF80] =	vst v0  }
0x18f: {  	v22 =	vand.u32 $0xFFFF0000, v7;
	v7 =	vand.u32 $0xFFFF, v7;
	v12 =	vand.u32 $0xFFFF0000, v12;
	[tilespmem:v14+s21+$0x0] =	vst.idx.add.f32.msk $0xffff, v2  }
0x190: {  	v18 =	vmul.f32 v18, v6;
	v14 =	vand.u32 $0xFFFF, v15;
	v2 =	vld [tilespmem:s13+$0x1A050];
	[tilespmem:s2+$0xFFFFFFB0] =	vst v0  }
.Ltmp8:
0x191: {  	v8 =	vmul.f32 v21, v8;
	v6 =	vand.u32 $0xFFFF, v13;
	v3 =	vld [tilespmem:s13+$0x6050];
	[tilespmem:s2+$0xFFFFFFC0] =	vst v0;
	s2 =	smov.u32 s3;
	(pc) =	sbr.rel @p0 .LBB2_19-.Ltmp8, $4  }
0x192: {  	v10 =	vmul.f32 v22, v10;
	v13 =	vand.u32 $0xFFFF0000, v13;
	v15 =	vand.u32 $0xFFFF0000, v15;
	[tilespmem:v19+s21+$0x0] =	vst.idx.add.f32.msk $0xffff, v18  }
0x193: {  	v18 =	vand.u32 $0xFFFF0000, v5;
	v5 =	vand.u32 $0xFFFF, v5;
	v15 =	vmul.f32 v15, v20;
	[tilespmem:v11+s21+$0x0] =	vst.idx.add.f32.msk $0xffff, v8  }
0x194: {  	v8 =	vmul.f32 v12, v17;
	[tilespmem:v7+s21+$0x0] =	vst.idx.add.f32.msk $0xffff, v10;
	v7 =	vmul.f32 v18, v9  }
0x195: {  	s8 =	sadd.s32 $0x200, s8;
	v9 =	vmul.f32 v13, v16;
	[tilespmem:v14+s21+$0x0] =	vst.idx.add.f32.msk $0xffff, v15  }
0x196: {  	_ =	sdelay $0x3  }
0x197: {  	[tilespmem:v4+s21+$0x0] =	vst.idx.add.f32.msk $0xffff, v8  }
0x198: {  	[tilespmem:s2+$0xFFFFFFE0] =	vst v0  }
0x199: {  	[tilespmem:v5+s21+$0x0] =	vst.idx.add.f32.msk $0xffff, v7  }
0x19a: {  	[tilespmem:s2+$0xFFFFFFF0] =	vst v0  }
0x19b: {  	[tilespmem:s2+$0xFFFFFFD0] =	vst v0  }
0x19c: {  	[tilespmem:s2+$0x0] =	vst v0  }
0x19d: {  	[tilespmem:s2+$0xFFFFFF30] =	vst v0  }
0x19e: {  	[tilespmem:s2+$0xFFFFFF40] =	vst v0  }
0x19f: {  	[tilespmem:s2+$0xFFFFFF70] =	vst v0  }
0x1a0: {  	[tilespmem:s2+$0xFFFFFF80] =	vst v0  }
0x1a1: {  	[tilespmem:v6+s21+$0x0] =	vst.idx.add.f32.msk $0xffff, v9  }
0x1a2: {  	[tilespmem:s2+$0xFFFFFF10] =	vst v0  }
0x1a3: {  	v4 =	vand.u32 $0xFFFF, v3;
	[tilespmem:s2+$0xFFFFFF20] =	vst v0  }
0x1a4: {  	[tilespmem:s2+$0xFFFFFF90] =	vst v0  }
0x1a5: {  	v3 =	vand.u32 $0xFFFF0000, v3;
	s3 =	sadd.s32 s4, s28;
	[tilespmem:s2+$0xFFFFFFA0] =	vst v0  }
0x1a6: {  	v2 =	vmul.f32 v3, v2;
	s3 =	sshll.u32 s3, $0xF;
	[tilespmem:s2+$0xFFFFFF60] =	vst v0  }
0x1a7: {  	s8 =	sor.u32 s11, s31;
	[tilespmem:s2+$0xFFFFFF50] =	vst v0;
	s30 =	sand.u32 $0x3C0000, s3  }
0x1a8: {  	s3 =	sor.u32 s30, s8;
	[tilespmem:v4+s21+$0x0] =	vst.idx.add.f32.msk $0xffff, v2  }
0x1a9: {  	s3 =	sshrl.u32 s3, $0x3;
	[tilespmem:s2+$0xFFFFFFB0] =	vst v0  }
0x1aa: {  	s13 =	sadd.s32 s5, s3;
	[tilespmem:s2+$0xFFFFFFC0] =	vst v0  }
0x1ab: {  	[hbm4b:s13+s14] =	stream.strided.scatter [tilespmem:s21], [sflag:$0x3], $0x8000, s15, s14, $0x38;
	[tilespmem:$0x1C000] =	vst v63  }
0x1ac: {  	s16 =	sadd.s32 s0, s9  }
0x1ad: {  	[tilespmem:s19], [sflag:$0x2] =	stream.strided.gather [hbm4b:s16+s14], $0x2000, s15, s14, $0x38;
	[tilespmem:$0x1C000] =	vst v63  }
0x1ae: {  	_ =	swait.ge [sflag:s20], $0x2000  }
0x1af: {  	[sflag:s20] =	ssyncset.done $0x0  }
0x1b0: {  	s31 =	simm.s32 $0x40;
	[sflag:s20] =	ssyncadd.s32 $0xFFFFE000  }
0x1b1: {  	v2 =	vld [tilespmem:s31+$0x30]  }
0x1b2: {  	v3 =	vld [tilespmem:s31+$0xFFFFFFD0]  }
0x1b3: {  	s2 =	simm.s32 $0x18040;
	v4 =	vld [tilespmem:s31+$0xFFFFFFE0]  }
0x1b4: {  	v5 =	vld [tilespmem:s2+$0x30]  }
0x1b5: {  	v57 =	vld [tilespmem:s31+$0xFFFFFFF0]  }
0x1b6: {  	v58 =	vld [tilespmem:s31+$0x0]  }
0x1b7: {  	v60 =	vld [tilespmem:s31+$0x10];
	v59 =	vand.u32 $0xFFFF, v2  }
0x1b8: {  	v10 =	vld [tilespmem:s31+$0xFFFFFFC0]  }
0x1b9: {  	v11 =	vld [tilespmem:s31+$0x20];
	v2 =	vand.u32 $0xFFFF0000, v2  }
0x1ba: {  	v61 =	vld [tilespmem:s2+$0xFFFFFFE0];
	v2 =	vmul.f32 v2, v5  }
0x1bb: {  	v5 =	vld [tilespmem:s2+$0xFFFFFFC0]  }
0x1bc: {  	v15 =	vand.u32 $0xFFFF, v4;
	[tilespmem:v59+s17+$0x0] =	vst.idx.add.f32.msk $0xffff, v2  }
0x1bd: {  	v2 =	vld [tilespmem:s2+$0xFFFFFFD0]  }
0x1be: {  	v14 =	vld [tilespmem:s2+$0xFFFFFFF0];
	v12 =	vand.u32 $0xFFFF, v10;
	v4 =	vand.u32 $0xFFFF0000, v4  }
0x1bf: {  	v16 =	vld [tilespmem:s2+$0x0];
	v13 =	vand.u32 $0xFFFF, v3;
	v4 =	vmul.f32 v4, v61  }
0x1c0: {  	v62 =	vld [tilespmem:s2+$0x10];
	v10 =	vand.u32 $0xFFFF0000, v10;
	v17 =	vand.u32 $0xFFFF, v57  }
0x1c1: {  	v3 =	vand.u32 $0xFFFF0000, v3;
	v18 =	vand.u32 $0xFFFF, v58;
	[tilespmem:v15+s17+$0x0] =	vst.idx.add.f32.msk $0xffff, v4;
	v5 =	vmul.f32 v10, v5  }
0x1c2: {  	v6 =	vand.u32 $0xFFFF0000, v57;
	v19 =	vand.u32 $0xFFFF, v60;
	v2 =	vmul.f32 v3, v2;
	v3 =	vld [tilespmem:s2+$0x20]  }
0x1c3: {  	v6 =	vmul.f32 v6, v14;
	[tilespmem:v12+s17+$0x0] =	vst.idx.add.f32.msk $0xffff, v5;
	v5 =	vand.u32 $0xFFFF0000, v58  }
0x1c4: {  	v5 =	vmul.f32 v5, v16;
	[tilespmem:v13+s17+$0x0] =	vst.idx.add.f32.msk $0xffff, v2;
	v2 =	vand.u32 $0xFFFF0000, v60  }
0x1c5: {  	[tilespmem:v17+s17+$0x0] =	vst.idx.add.f32.msk $0xffff, v6;
	v4 =	vmul.f32 v2, v62  }
0x1c6: {  	v63 =	vand.u32 $0xFFFF0000, v11;
	[tilespmem:v18+s17+$0x0] =	vst.idx.add.f32.msk $0xffff, v5  }
0x1c7: {  	s7 =	simm.s32 $0xC0;
	s3 =	simm.s32 $0x0;
	v2 =	vand.u32 $0xFFFF, v11;
	v3 =	vmul.f32 v63, v3;
	[tilespmem:v19+s17+$0x0] =	vst.idx.add.f32.msk $0xffff, v4  }
.LBB2_21:
0x1c8: {  	v4 =	vld [tilespmem:s7+$0x30];
	s3 =	sadd.s32 $0x8, s3  }
0x1c9: {  	v5 =	vld [tilespmem:s7+$0xFFFFFFD0];
	p0 =	slt.u32 s3, $0x1F8  }
0x1ca: {  	s2 =	sadd.s32 $0x80, s2;
	v6 =	vld [tilespmem:s7+$0xFFFFFFE0]  }
0x1cb: {  	v7 =	vld [tilespmem:s2+$0x30]  }
0x1cc: {  	v8 =	vld [tilespmem:s7+$0xFFFFFFF0]  }
0x1cd: {  	v9 =	vld [tilespmem:s7+$0x0];
	v10 =	vand.u32 $0xFFFF, v4  }
0x1ce: {  	v11 =	vand.u32 $0xFFFF0000, v5;
	v5 =	vand.u32 $0xFFFF, v5;
	v12 =	vld [tilespmem:s7+$0x10]  }
0x1cf: {  	v4 =	vand.u32 $0xFFFF0000, v4;
	v13 =	vand.u32 $0xFFFF0000, v6;
	v6 =	vand.u32 $0xFFFF, v6;
	v14 =	vld [tilespmem:s7+$0x20]  }
0x1d0: {  	v15 =	vld [tilespmem:s7+$0xFFFFFFC0];
	v4 =	vmul.f32 v4, v7  }
0x1d1: {  	v7 =	vld [tilespmem:s2+$0xFFFFFFC0];
	v16 =	vand.u32 $0xFFFF0000, v8;
	v8 =	vand.u32 $0xFFFF, v8  }
0x1d2: {  	v17 =	vand.u32 $0xFFFF0000, v9;
	v9 =	vand.u32 $0xFFFF, v9;
	[tilespmem:v10+s17+$0x0] =	vst.idx.add.f32.msk $0xffff, v4  }
0x1d3: {  	v4 =	vld [tilespmem:s2+$0xFFFFFFD0];
	v10 =	vand.u32 $0xFFFF0000, v12;
	v12 =	vand.u32 $0xFFFF, v12  }
0x1d4: {  	v18 =	vld [tilespmem:s2+$0xFFFFFFE0];
	v19 =	vand.u32 $0xFFFF0000, v14;
	v14 =	vand.u32 $0xFFFF, v14  }
0x1d5: {  	v20 =	vand.u32 $0xFFFF0000, v15;
	v15 =	vand.u32 $0xFFFF, v15;
	v21 =	vld [tilespmem:s2+$0xFFFFFFF0]  }
0x1d6: {  	v7 =	vmul.f32 v20, v7;
	v20 =	vld [tilespmem:s2+$0x0]  }
0x1d7: {  	v22 =	vld [tilespmem:s2+$0x10]  }
0x1d8: {  	v4 =	vmul.f32 v11, v4;
	v11 =	vld [tilespmem:s2+$0x20]  }
0x1d9: {  	v13 =	vmul.f32 v13, v18;
	[tilespmem:v2+s17+$0x0] =	vst.idx.add.f32.msk $0xffff, v3;
	v2 =	vmov v14  }
0x1da: {  	[tilespmem:v15+s17+$0x0] =	vst.idx.add.f32.msk $0xffff, v7;
	v3 =	vmul.f32 v16, v21  }
.Ltmp9:
0x1db: {  	[tilespmem:v5+s17+$0x0] =	vst.idx.add.f32.msk $0xffff, v4;
	v4 =	vmul.f32 v17, v20;
	(pc) =	sbr.rel @p0 .LBB2_21-.Ltmp9, $4  }
0x1dc: {  	[tilespmem:v6+s17+$0x0] =	vst.idx.add.f32.msk $0xffff, v13;
	v5 =	vmul.f32 v10, v22  }
0x1dd: {  	[tilespmem:v8+s17+$0x0] =	vst.idx.add.f32.msk $0xffff, v3;
	v3 =	vmul.f32 v19, v11  }
0x1de: {  	[tilespmem:v9+s17+$0x0] =	vst.idx.add.f32.msk $0xffff, v4  }
0x1df: {  	s7 =	sadd.s32 $0x80, s7;
	[tilespmem:v12+s17+$0x0] =	vst.idx.add.f32.msk $0xffff, v5  }
0x1e0: {  	_ =	sdelay $0x3  }
0x1e1: {  	[tilespmem:v2+s17+$0x0] =	vst.idx.add.f32.msk $0xffff, v3;
	s2 =	sadd.s32 s0, s10  }
0x1e2: {  	[tilespmem:s18], [sflag:$0x1] =	stream.strided.gather [hbm4b:s2+s14], $0x2000, s15, s14, $0x38;
	[tilespmem:$0x1C000] =	vst v63  }
0x1e3: {  	_ =	swait.ge [sflag:s22], $0x2000  }
0x1e4: {  	[sflag:s22] =	ssyncset.done $0x0  }
0x1e5: {  	s3 =	simm.s32 $0x2070;
	[sflag:s22] =	ssyncadd.s32 $0xFFFFE000  }
0x1e6: {  	v2 =	vld [tilespmem:s3+$0x0]  }
0x1e7: {  	v3 =	vld [tilespmem:s3+$0xFFFFFFA0]  }
0x1e8: {  	s2 =	simm.s32 $0x1A070;
	v4 =	vld [tilespmem:s3+$0xFFFFFFB0]  }
0x1e9: {  	v5 =	vld [tilespmem:s2+$0x0]  }
0x1ea: {  	v6 =	vld [tilespmem:s3+$0xFFFFFFC0]  }
0x1eb: {  	v7 =	vld [tilespmem:s3+$0xFFFFFFD0]  }
0x1ec: {  	v9 =	vld [tilespmem:s3+$0xFFFFFFE0];
	v8 =	vand.u32 $0xFFFF, v2  }
0x1ed: {  	v10 =	vld [tilespmem:s3+$0xFFFFFF90]  }
0x1ee: {  	v11 =	vld [tilespmem:s3+$0xFFFFFFF0];
	v2 =	vand.u32 $0xFFFF0000, v2  }
0x1ef: {  	v61 =	vld [tilespmem:s2+$0xFFFFFFB0];
	v2 =	vmul.f32 v2, v5  }
0x1f0: {  	v5 =	vld [tilespmem:s2+$0xFFFFFF90]  }
0x1f1: {  	v15 =	vand.u32 $0xFFFF, v4;
	[tilespmem:v8+s17+$0x0] =	vst.idx.add.f32.msk $0xffff, v2  }
0x1f2: {  	v2 =	vld [tilespmem:s2+$0xFFFFFFA0]  }
0x1f3: {  	v14 =	vld [tilespmem:s2+$0xFFFFFFC0];
	v12 =	vand.u32 $0xFFFF, v10;
	v4 =	vand.u32 $0xFFFF0000, v4  }
0x1f4: {  	v16 =	vld [tilespmem:s2+$0xFFFFFFD0];
	v13 =	vand.u32 $0xFFFF, v3;
	v4 =	vmul.f32 v4, v61  }
0x1f5: {  	v62 =	vld [tilespmem:s2+$0xFFFFFFE0];
	v10 =	vand.u32 $0xFFFF0000, v10;
	v17 =	vand.u32 $0xFFFF, v6  }
0x1f6: {  	v3 =	vand.u32 $0xFFFF0000, v3;
	v18 =	vand.u32 $0xFFFF, v7;
	[tilespmem:v15+s17+$0x0] =	vst.idx.add.f32.msk $0xffff, v4;
	v5 =	vmul.f32 v10, v5  }
0x1f7: {  	v6 =	vand.u32 $0xFFFF0000, v6;
	v19 =	vand.u32 $0xFFFF, v9;
	v2 =	vmul.f32 v3, v2;
	v3 =	vld [tilespmem:s2+$0xFFFFFFF0]  }
0x1f8: {  	v6 =	vmul.f32 v6, v14;
	[tilespmem:v12+s17+$0x0] =	vst.idx.add.f32.msk $0xffff, v5;
	v5 =	vand.u32 $0xFFFF0000, v7  }
0x1f9: {  	v5 =	vmul.f32 v5, v16;
	[tilespmem:v13+s17+$0x0] =	vst.idx.add.f32.msk $0xffff, v2;
	v2 =	vand.u32 $0xFFFF0000, v9  }
0x1fa: {  	[tilespmem:v17+s17+$0x0] =	vst.idx.add.f32.msk $0xffff, v6;
	v4 =	vmul.f32 v2, v62  }
0x1fb: {  	v63 =	vand.u32 $0xFFFF0000, v11;
	[tilespmem:v18+s17+$0x0] =	vst.idx.add.f32.msk $0xffff, v5  }
0x1fc: {  	s7 =	simm.s32 $0x20F0;
	s3 =	simm.s32 $0x0;
	v2 =	vand.u32 $0xFFFF, v11;
	v3 =	vmul.f32 v63, v3;
	[tilespmem:v19+s17+$0x0] =	vst.idx.add.f32.msk $0xffff, v4  }
.LBB2_23:
0x1fd: {  	v4 =	vld [tilespmem:s7+$0x0];
	s3 =	sadd.s32 $0x8, s3  }
0x1fe: {  	v5 =	vld [tilespmem:s7+$0xFFFFFFA0];
	p0 =	slt.u32 s3, $0x1F8  }
0x1ff: {  	s2 =	sadd.s32 $0x80, s2;
	v6 =	vld [tilespmem:s7+$0xFFFFFFB0]  }
0x200: {  	v7 =	vld [tilespmem:s2+$0x0]  }
0x201: {  	v8 =	vld [tilespmem:s7+$0xFFFFFFC0]  }
0x202: {  	v9 =	vld [tilespmem:s7+$0xFFFFFFD0];
	v10 =	vand.u32 $0xFFFF, v4  }
0x203: {  	v11 =	vand.u32 $0xFFFF0000, v5;
	v5 =	vand.u32 $0xFFFF, v5;
	v12 =	vld [tilespmem:s7+$0xFFFFFFE0]  }
0x204: {  	v4 =	vand.u32 $0xFFFF0000, v4;
	v13 =	vand.u32 $0xFFFF0000, v6;
	v6 =	vand.u32 $0xFFFF, v6;
	v14 =	vld [tilespmem:s7+$0xFFFFFFF0]  }
0x205: {  	v15 =	vld [tilespmem:s7+$0xFFFFFF90];
	v4 =	vmul.f32 v4, v7  }
0x206: {  	v7 =	vld [tilespmem:s2+$0xFFFFFF90];
	v16 =	vand.u32 $0xFFFF0000, v8;
	v8 =	vand.u32 $0xFFFF, v8  }
0x207: {  	v17 =	vand.u32 $0xFFFF0000, v9;
	v9 =	vand.u32 $0xFFFF, v9;
	[tilespmem:v10+s17+$0x0] =	vst.idx.add.f32.msk $0xffff, v4  }
0x208: {  	v4 =	vld [tilespmem:s2+$0xFFFFFFA0];
	v10 =	vand.u32 $0xFFFF0000, v12;
	v12 =	vand.u32 $0xFFFF, v12  }
0x209: {  	v18 =	vld [tilespmem:s2+$0xFFFFFFB0];
	v19 =	vand.u32 $0xFFFF0000, v14;
	v14 =	vand.u32 $0xFFFF, v14  }
0x20a: {  	v20 =	vand.u32 $0xFFFF0000, v15;
	v15 =	vand.u32 $0xFFFF, v15;
	v21 =	vld [tilespmem:s2+$0xFFFFFFC0]  }
0x20b: {  	v7 =	vmul.f32 v20, v7;
	v20 =	vld [tilespmem:s2+$0xFFFFFFD0]  }
0x20c: {  	v22 =	vld [tilespmem:s2+$0xFFFFFFE0]  }
0x20d: {  	v4 =	vmul.f32 v11, v4;
	v11 =	vld [tilespmem:s2+$0xFFFFFFF0]  }
0x20e: {  	v13 =	vmul.f32 v13, v18;
	[tilespmem:v2+s17+$0x0] =	vst.idx.add.f32.msk $0xffff, v3;
	v2 =	vmov v14  }
0x20f: {  	[tilespmem:v15+s17+$0x0] =	vst.idx.add.f32.msk $0xffff, v7;
	v3 =	vmul.f32 v16, v21  }
.Ltmp10:
0x210: {  	[tilespmem:v5+s17+$0x0] =	vst.idx.add.f32.msk $0xffff, v4;
	v4 =	vmul.f32 v17, v20;
	(pc) =	sbr.rel @p0 .LBB2_23-.Ltmp10, $4  }
0x211: {  	[tilespmem:v6+s17+$0x0] =	vst.idx.add.f32.msk $0xffff, v13;
	v5 =	vmul.f32 v10, v22  }
0x212: {  	[tilespmem:v8+s17+$0x0] =	vst.idx.add.f32.msk $0xffff, v3;
	v3 =	vmul.f32 v19, v11  }
0x213: {  	[tilespmem:v9+s17+$0x0] =	vst.idx.add.f32.msk $0xffff, v4  }
0x214: {  	s7 =	sadd.s32 $0x80, s7;
	[tilespmem:v12+s17+$0x0] =	vst.idx.add.f32.msk $0xffff, v5  }
0x215: {  	_ =	sdelay $0x3  }
0x216: {  	[tilespmem:v2+s17+$0x0] =	vst.idx.add.f32.msk $0xffff, v3;
	s0 =	sadd.s32 s0, s12  }
0x217: {  	[tilespmem:s19], [sflag:$0x2] =	stream.strided.gather [hbm4b:s0+s14], $0x2000, s15, s14, $0x38;
	[tilespmem:$0x1C000] =	vst v63  }
0x218: {  	_ =	swait.ge [sflag:s23], $0x8000  }
0x219: {  	[sflag:s23] =	ssyncset.done $0x0  }
0x21a: {  	[sflag:s23] =	ssyncadd.s32 $0xFFFF8000  }
0x21b: {  	_ =	swait.ge [sflag:s20], $0x2000  }
0x21c: {  	[sflag:s20] =	ssyncset.done $0x0  }
0x21d: {  	s2 =	simm.s32 $0x0;
	[sflag:s20] =	ssyncadd.s32 $0xFFFFE000  }
0x21e: {  	v3 =	vld [tilespmem:s2+$0x18020]  }
0x21f: {  	v5 =	vld [tilespmem:s2+$0x4000]  }
0x220: {  	v2 =	vld [tilespmem:s2+$0x18070]  }
0x221: {  	v7 =	vld [tilespmem:s2+$0x4070]  }
0x222: {  	v6 =	vld [tilespmem:s2+$0x18060]  }
0x223: {  	v4 =	vld [tilespmem:s2+$0x4020]  }
0x224: {  	v9 =	vld [tilespmem:s2+$0x4060]  }
0x225: {  	v10 =	vld [tilespmem:s2+$0x4050]  }
0x226: {  	v8 =	vld [tilespmem:s2+$0x18050];
	v13 =	vand.u32 $0xFFFF, v7  }
0x227: {  	v11 =	vld [tilespmem:s2+$0x4030]  }
0x228: {  	v12 =	vld [tilespmem:s2+$0x4040];
	v7 =	vand.u32 $0xFFFF0000, v7;
	v15 =	vand.u32 $0xFFFF, v4  }
0x229: {  	v14 =	vld [tilespmem:s2+$0x18000];
	v4 =	vand.u32 $0xFFFF0000, v4;
	v19 =	vand.u32 $0xFFFF, v9;
	v7 =	vmul.f32 v7, v2  }
0x22a: {  	v17 =	vld [tilespmem:s2+$0x18040];
	v3 =	vmul.f32 v4, v3;
	v4 =	vand.u32 $0xFFFF0000, v10  }
0x22b: {  	v18 =	vand.u32 $0xFFFF, v10;
	[tilespmem:v13+s17+$0x0] =	vst.idx.add.f32.msk $0xffff, v7;
	v7 =	vmul.f32 v4, v8;
	v8 =	vand.u32 $0xFFFF0000, v9  }
0x22c: {  	v16 =	vld [tilespmem:s2+$0x18030];
	v6 =	vmul.f32 v8, v6  }
0x22d: {  	v61 =	vand.u32 $0xFFFF, v12;
	v4 =	vld [tilespmem:s2+$0x4010]  }
0x22e: {  	[tilespmem:v19+s17+$0x0] =	vst.idx.add.f32.msk $0xffff, v6;
	v6 =	vand.u32 $0xFFFF, v11  }
0x22f: {  	v62 =	vand.u32 $0xFFFF0000, v12;
	[tilespmem:v15+s17+$0x0] =	vst.idx.add.f32.msk $0xffff, v3  }
0x230: {  	s0 =	simm.s32 $0x8080;
	v63 =	vand.u32 $0xFFFF0000, v11;
	v8 =	vmul.f32 v62, v17;
	[tilespmem:v18+s17+$0x0] =	vst.idx.add.f32.msk $0xffff, v7;
	v7 =	vand.u32 $0xFFFF0000, v5  }
0x231: {  	s31 =	simm.s32 $0xE0;
	s3 =	simm.s32 $0x1E0;
	v2 =	vld [tilespmem:s2+$0x18010];
	v3 =	vand.u32 $0xFFFF, v5;
	[tilespmem:s0+$0x60] =	vst v0;
	v5 =	vmul.f32 v7, v14;
	v7 =	vmul.f32 v63, v16  }
0x232: {  	s7 =	simm.s32 $0x200;
	s8 =	simm.s32 $0x8180;
	s2 =	simm.s32 $0x0;
	[tilespmem:v61+s17+$0x0] =	vst.idx.add.f32.msk $0xffff, v8  }
.LBB2_25:
0x233: {  	s13 =	sshra.s32 s7, $0x2;
	s2 =	sadd.s32 $0x8, s2;
	v8 =	vand.u32 $0xFFFF, v4;
	[tilespmem:v6+s17+$0x0] =	vst.idx.add.f32.msk $0xffff, v7;
	s16 =	sadd.s32 $0xFFFFFF80, s31  }
0x234: {  	v6 =	vld [tilespmem:s13+$0x18020];
	p0 =	slt.u32 s2, $0x1F8;
	[tilespmem:s0+$0xFFFFFFE0] =	vst v0;
	s16 =	sor.u32 $0x70, s16  }
0x235: {  	v4 =	vand.u32 $0xFFFF0000, v4;
	v7 =	vld [tilespmem:s13+$0x4000];
	[tilespmem:s16+$0x8000] =	vst v0  }
0x236: {  	v2 =	vmul.f32 v4, v2;
	v9 =	vld [tilespmem:s13+$0x18070];
	[tilespmem:s0+$0x40] =	vst v0  }
0x237: {  	[tilespmem:v3+s17+$0x0] =	vst.idx.add.f32.msk $0xffff, v5  }
0x238: {  	v10 =	vld [tilespmem:s13+$0x18060];
	[tilespmem:s0+$0xFFFFFF90] =	vst v0  }
0x239: {  	v3 =	vld [tilespmem:s13+$0x4020];
	[tilespmem:s0+$0xFFFFFF80] =	vst v0  }
0x23a: {  	s16 =	sadd.s32 $0xFFFFFFC0, s31;
	v4 =	vld [tilespmem:s13+$0x18050];
	[tilespmem:s0+$0x0] =	vst v0  }
0x23b: {  	s16 =	sor.u32 $0x30, s16;
	v5 =	vld [tilespmem:s13+$0x4070];
	[tilespmem:s0+$0x20] =	vst v0  }
0x23c: {  	v11 =	vld [tilespmem:s13+$0x4060];
	[tilespmem:s16+$0x8000] =	vst v0  }
0x23d: {  	[tilespmem:v8+s17+$0x0] =	vst.idx.add.f32.msk $0xffff, v2  }
0x23e: {  	s16 =	sor.u32 $0x70, s31;
	v8 =	vld [tilespmem:s13+$0x4050];
	[tilespmem:s0+$0x10] =	vst v0  }
0x23f: {  	v12 =	vld [tilespmem:s13+$0x4030];
	[tilespmem:s16+$0x8000] =	vst v0  }
0x240: {  	s16 =	sadd.s32 $0xFFFFFF40, s31;
	v13 =	vld [tilespmem:s13+$0x4040];
	v2 =	vand.u32 $0xFFFF0000, v5;
	v5 =	vand.u32 $0xFFFF, v5;
	[tilespmem:s0+$0xFFFFFFC0] =	vst v0  }
0x241: {  	v15 =	vand.u32 $0xFFFF0000, v3;
	v16 =	vand.u32 $0xFFFF, v3;
	v14 =	vld [tilespmem:s13+$0x18000];
	v9 =	vmul.f32 v2, v9;
	[tilespmem:s0+$0xFFFFFFA0] =	vst v0;
	s0 =	sor.u32 $0x30, s16;
	s16 =	sadd.s32 $0xFFFFFF60, s31;
	s31 =	sadd.s32 $0xFFFFFFE0, s31  }
0x242: {  	v17 =	vld [tilespmem:s13+$0x18030];
	[tilespmem:s0+$0x8000] =	vst v0;
	s16 =	sor.u32 $0x50, s16;
	s0 =	sor.u32 $0x50, s31;
	s31 =	smov.u32 s3  }
0x243: {  	v18 =	vand.u32 $0xFFFF0000, v7;
	v3 =	vand.u32 $0xFFFF, v7;
	v7 =	vld [tilespmem:s13+$0x18040];
	v19 =	vand.u32 $0xFFFF, v8;
	[tilespmem:s0+$0x8000] =	vst v0;
	s0 =	smov.u32 s8  }
0x244: {  	v15 =	vmul.f32 v15, v6;
	v6 =	vand.u32 $0xFFFF0000, v8;
	v8 =	vand.u32 $0xFFFF, v11;
	v2 =	vld [tilespmem:s13+$0x18010];
	[tilespmem:s16+$0x8000] =	vst v0  }
0x245: {  	v21 =	vmul.f32 v6, v4;
	v20 =	vand.u32 $0xFFFF0000, v13;
	v13 =	vand.u32 $0xFFFF, v13;
	[tilespmem:v5+s17+$0x0] =	vst.idx.add.f32.msk $0xffff, v9  }
.Ltmp11:
0x246: {  	v6 =	vand.u32 $0xFFFF, v12;
	v9 =	vand.u32 $0xFFFF0000, v11;
	v5 =	vmul.f32 v18, v14;
	v4 =	vld [tilespmem:s13+$0x4010];
	[tilespmem:s8+$0x60] =	vst v0;
	(pc) =	sbr.rel @p0 .LBB2_25-.Ltmp11, $4  }
0x247: {  	v9 =	vmul.f32 v9, v10;
	[tilespmem:v16+s17+$0x0] =	vst.idx.add.f32.msk $0xffff, v15  }
0x248: {  	v10 =	vand.u32 $0xFFFF0000, v12;
	v11 =	vmul.f32 v20, v7;
	[tilespmem:v19+s17+$0x0] =	vst.idx.add.f32.msk $0xffff, v21  }
0x249: {  	v7 =	vmul.f32 v10, v17;
	[tilespmem:v8+s17+$0x0] =	vst.idx.add.f32.msk $0xffff, v9  }
0x24a: {  	s7 =	sadd.s32 $0x200, s7;
	s3 =	sadd.s32 $0x100, s3;
	s8 =	sadd.s32 $0x100, s8;
	[tilespmem:v13+s17+$0x0] =	vst.idx.add.f32.msk $0xffff, v11  }
0x24b: {  	_ =	sdelay $0x3  }
0x24c: {  	[tilespmem:v6+s17+$0x0] =	vst.idx.add.f32.msk $0xffff, v7  }
0x24d: {  	[tilespmem:s0+$0x40] =	vst v0  }
0x24e: {  	[tilespmem:v3+s17+$0x0] =	vst.idx.add.f32.msk $0xffff, v5  }
0x24f: {  	[tilespmem:s0+$0x0] =	vst v0  }
0x250: {  	[tilespmem:s0+$0x20] =	vst v0  }
0x251: {  	[tilespmem:s0+$0x10] =	vst v0  }
0x252: {  	[tilespmem:s0+$0xFFFFFFC0] =	vst v0  }
0x253: {  	[tilespmem:s0+$0xFFFFFFE0] =	vst v0  }
0x254: {  	[tilespmem:s0+$0xFFFFFF90] =	vst v0  }
0x255: {  	s2 =	sadd.s32 $0xFFFFFF80, s31;
	v3 =	vand.u32 $0xFFFF, v4;
	s13 =	sor.u32 $0x70, s31;
	[tilespmem:s0+$0xFFFFFF80] =	vst v0  }
0x256: {  	s7 =	sadd.s32 $0xFFFFFF60, s31;
	s2 =	sor.u32 $0x70, s2;
	[tilespmem:s13+$0x8000] =	vst v0  }
0x257: {  	v4 =	vand.u32 $0xFFFF0000, v4;
	s8 =	sadd.s32 $0xFFFFFFC0, s31;
	s7 =	sor.u32 $0x50, s7;
	[tilespmem:s2+$0x8000] =	vst v0  }
0x258: {  	s3 =	sadd.s32 $0xFFFFFF40, s31;
	p0 =	seq.s32 s26, $0xF;
	v2 =	vmul.f32 v4, v2;
	s2 =	sor.u32 $0x30, s8;
	[tilespmem:s7+$0x8000] =	vst v0  }
0x259: {  	s16 =	sor.u32 $0x30, s3;
	s3 =	sadd.s32 @!p0 $0x2, s28;
	[tilespmem:s2+$0x8000] =	vst v0  }
0x25a: {  	s28 =	sadd.s32 $0xFFFFFFE0, s31;
	s8 =	sadd.s32 @!p0 s6, s3;
	s3 =	sshll.u32 @!p0 s3, $0x4;
	[tilespmem:v3+s17+$0x0] =	vst.idx.add.f32.msk $0xffff, v2  }
0x25b: {  	s7 =	simm.s32 @!p0 $0x18000;
	s8 =	sshll.u32 @!p0 s8, $0xC;
	s3 =	sand.u32 @!p0 $0x60, s3;
	[tilespmem:s0+$0xFFFFFFA0] =	vst v0  }
0x25c: {  	s2 =	sand.u32 @!p0 $0xFFF8000, s8;
	s3 =	sadd.s32 @!p0 s1, s3;
	s0 =	sor.u32 $0x50, s28;
	[tilespmem:s16+$0x8000] =	vst v0  }
0x25d: {  	[tilespmem:s0+$0x8000] =	vst v0;
	s0 =	sadd.s32 @!p0 s2, s3;
	s2 =	simm.s32 @!p0 $0x80;
	s3 =	simm.s32 @!p0 $0x400  }
0x25e: {  	[tilespmem:s7], [sflag:$0x1] =	stream.strided.gather @!p0 [hbm4b:s0+s2], $0x2000, s3, s2, $0x38;
	[tilespmem:$0x1C000] =	vst v63  }
0x25f: {  	_ =	swait.ge [sflag:s22], $0x2000  }
0x260: {  	[sflag:s22] =	ssyncset.done $0x0  }
0x261: {  	s31 =	simm.s32 $0x0;
	[sflag:s22] =	ssyncadd.s32 $0xFFFFE000  }
0x262: {  	v4 =	vld [tilespmem:s31+$0x1A070]  }
0x263: {  	v3 =	vld [tilespmem:s31+$0x1A060]  }
0x264: {  	v7 =	vld [tilespmem:s31+$0x1A040]  }
0x265: {  	v5 =	vld [tilespmem:s31+$0x1A010]  }
0x266: {  	v2 =	vld [tilespmem:s31+$0x6070]  }
0x267: {  	v9 =	vld [tilespmem:s31+$0x6040]  }
0x268: {  	v6 =	vld [tilespmem:s31+$0x6060]  }
0x269: {  	v8 =	vld [tilespmem:s31+$0x6010]  }
0x26a: {  	v10 =	vld [tilespmem:s31+$0x6000]  }
0x26b: {  	v11 =	vld [tilespmem:s31+$0x6030]  }
0x26c: {  	v12 =	vld [tilespmem:s31+$0x6020]  }
0x26d: {  	v13 =	vld [tilespmem:s31+$0x1A020];
	v14 =	vand.u32 $0xFFFF, v6  }
0x26e: {  	v15 =	vld [tilespmem:s31+$0x1A030];
	v16 =	vand.u32 $0xFFFF, v2  }
0x26f: {  	v17 =	vld [tilespmem:s31+$0x1A000];
	v6 =	vand.u32 $0xFFFF0000, v6;
	v18 =	vand.u32 $0xFFFF, v8  }
0x270: {  	v19 =	vand.u32 $0xFFFF0000, v2;
	v20 =	vand.u32 $0xFFFF, v11;
	v2 =	vld [tilespmem:s31+$0x1A050];
	v6 =	vmul.f32 v6, v3  }
0x271: {  	v8 =	vand.u32 $0xFFFF0000, v8;
	v3 =	vld [tilespmem:s31+$0x6050];
	v19 =	vmul.f32 v19, v4;
	v4 =	vand.u32 $0xFFFF, v10  }
0x272: {  	v5 =	vmul.f32 v8, v5;
	v8 =	vand.u32 $0xFFFF0000, v11;
	[tilespmem:v14+s17+$0x0] =	vst.idx.add.f32.msk $0xffff, v6;
	v6 =	vand.u32 $0xFFFF, v12  }
0x273: {  	v10 =	vand.u32 $0xFFFF0000, v10;
	v11 =	vmul.f32 v8, v15;
	[tilespmem:v16+s17+$0x0] =	vst.idx.add.f32.msk $0xffff, v19  }
0x274: {  	s2 =	simm.s32 $0xC0F0;
	v63 =	vand.u32 $0xFFFF0000, v9;
	v8 =	vmul.f32 v10, v17;
	v12 =	vand.u32 $0xFFFF0000, v12;
	[tilespmem:v18+s17+$0x0] =	vst.idx.add.f32.msk $0xffff, v5  }
0x275: {  	s3 =	simm.s32 $0x0;
	s7 =	simm.s32 $0x200;
	s0 =	simm.s32 $0xC0F0;
	v7 =	vmul.f32 v63, v7;
	v5 =	vand.u32 $0xFFFF, v9;
	[tilespmem:v20+s17+$0x0] =	vst.idx.add.f32.msk $0xffff, v11;
	v9 =	vmul.f32 v12, v13  }
.LBB2_27:
0x276: {  	s8 =	sshra.s32 s7, $0x2;
	s3 =	sadd.s32 $0x8, s3;
	[tilespmem:v4+s17+$0x0] =	vst.idx.add.f32.msk $0xffff, v8;
	s2 =	sadd.s32 $0x100, s2  }
0x277: {  	p0 =	slt.u32 s3, $0x1F8;
	[tilespmem:v6+s17+$0x0] =	vst.idx.add.f32.msk $0xffff, v9  }
0x278: {  	v8 =	vld [tilespmem:s8+$0x1A070];
	[tilespmem:s0+$0xFFFFFF60] =	vst v0  }
0x279: {  	v6 =	vld [tilespmem:s8+$0x1A060];
	[tilespmem:s0+$0xFFFFFF10] =	vst v0  }
0x27a: {  	v9 =	vld [tilespmem:s8+$0x1A040];
	[tilespmem:s0+$0xFFFFFF50] =	vst v0  }
0x27b: {  	v10 =	vld [tilespmem:s8+$0x1A010];
	[tilespmem:s0+$0xFFFFFF20] =	vst v0  }
0x27c: {  	v11 =	vld [tilespmem:s8+$0x6070];
	[tilespmem:s0+$0xFFFFFFE0] =	vst v0  }
0x27d: {  	[tilespmem:v5+s17+$0x0] =	vst.idx.add.f32.msk $0xffff, v7  }
0x27e: {  	v5 =	vld [tilespmem:s8+$0x6040];
	[tilespmem:s0+$0xFFFFFFF0] =	vst v0  }
0x27f: {  	v7 =	vld [tilespmem:s8+$0x6010];
	[tilespmem:s0+$0xFFFFFFD0] =	vst v0  }
0x280: {  	v4 =	vld [tilespmem:s8+$0x6060];
	[tilespmem:s0+$0x0] =	vst v0  }
0x281: {  	v12 =	vld [tilespmem:s8+$0x6000];
	[tilespmem:s0+$0xFFFFFF90] =	vst v0  }
0x282: {  	v14 =	vand.u32 $0xFFFF, v3;
	v13 =	vld [tilespmem:s8+$0x6020];
	[tilespmem:s0+$0xFFFFFFA0] =	vst v0  }
0x283: {  	v15 =	vld [tilespmem:s8+$0x6030];
	[tilespmem:s0+$0xFFFFFF30] =	vst v0  }
0x284: {  	v3 =	vand.u32 $0xFFFF0000, v3;
	v16 =	vld [tilespmem:s8+$0x1A020];
	[tilespmem:s0+$0xFFFFFF40] =	vst v0  }
0x285: {  	v2 =	vmul.f32 v3, v2;
	v17 =	vld [tilespmem:s8+$0x1A000];
	v18 =	vand.u32 $0xFFFF0000, v4;
	v19 =	vand.u32 $0xFFFF, v4;
	[tilespmem:s0+$0xFFFFFF70] =	vst v0  }
0x286: {  	v21 =	vand.u32 $0xFFFF0000, v11;
	v11 =	vand.u32 $0xFFFF, v11;
	v4 =	vand.u32 $0xFFFF, v12;
	v20 =	vld [tilespmem:s8+$0x1A030];
	[tilespmem:s0+$0xFFFFFF80] =	vst v0  }
0x287: {  	v22 =	vand.u32 $0xFFFF0000, v7;
	v7 =	vand.u32 $0xFFFF, v7;
	v12 =	vand.u32 $0xFFFF0000, v12;
	[tilespmem:v14+s17+$0x0] =	vst.idx.add.f32.msk $0xffff, v2  }
0x288: {  	v18 =	vmul.f32 v18, v6;
	v14 =	vand.u32 $0xFFFF, v15;
	v2 =	vld [tilespmem:s8+$0x1A050];
	[tilespmem:s0+$0xFFFFFFB0] =	vst v0  }
.Ltmp12:
0x289: {  	v8 =	vmul.f32 v21, v8;
	v6 =	vand.u32 $0xFFFF, v13;
	v3 =	vld [tilespmem:s8+$0x6050];
	[tilespmem:s0+$0xFFFFFFC0] =	vst v0;
	s0 =	smov.u32 s2;
	(pc) =	sbr.rel @p0 .LBB2_27-.Ltmp12, $4  }
0x28a: {  	v10 =	vmul.f32 v22, v10;
	v13 =	vand.u32 $0xFFFF0000, v13;
	v15 =	vand.u32 $0xFFFF0000, v15;
	[tilespmem:v19+s17+$0x0] =	vst.idx.add.f32.msk $0xffff, v18  }
0x28b: {  	v18 =	vand.u32 $0xFFFF0000, v5;
	v5 =	vand.u32 $0xFFFF, v5;
	v15 =	vmul.f32 v15, v20;
	[tilespmem:v11+s17+$0x0] =	vst.idx.add.f32.msk $0xffff, v8  }
0x28c: {  	v8 =	vmul.f32 v12, v17;
	[tilespmem:v7+s17+$0x0] =	vst.idx.add.f32.msk $0xffff, v10;
	v7 =	vmul.f32 v18, v9  }
0x28d: {  	s7 =	sadd.s32 $0x200, s7;
	v9 =	vmul.f32 v13, v16;
	[tilespmem:v14+s17+$0x0] =	vst.idx.add.f32.msk $0xffff, v15  }
0x28e: {  	_ =	sdelay $0x3  }
0x28f: {  	[tilespmem:v4+s17+$0x0] =	vst.idx.add.f32.msk $0xffff, v8  }
0x290: {  	[tilespmem:s0+$0xFFFFFFE0] =	vst v0  }
0x291: {  	[tilespmem:v5+s17+$0x0] =	vst.idx.add.f32.msk $0xffff, v7  }
0x292: {  	[tilespmem:s0+$0xFFFFFFF0] =	vst v0  }
0x293: {  	[tilespmem:s0+$0xFFFFFFD0] =	vst v0  }
0x294: {  	[tilespmem:s0+$0x0] =	vst v0  }
0x295: {  	[tilespmem:s0+$0xFFFFFF30] =	vst v0  }
0x296: {  	[tilespmem:s0+$0xFFFFFF40] =	vst v0  }
0x297: {  	[tilespmem:s0+$0xFFFFFF70] =	vst v0  }
0x298: {  	[tilespmem:s0+$0xFFFFFF80] =	vst v0  }
0x299: {  	[tilespmem:v6+s17+$0x0] =	vst.idx.add.f32.msk $0xffff, v9  }
0x29a: {  	[tilespmem:s0+$0xFFFFFF10] =	vst v0  }
0x29b: {  	v63 =	vand.u32 $0xFFFF, v3;
	[tilespmem:s0+$0xFFFFFF20] =	vst v0  }
0x29c: {  	[tilespmem:s0+$0xFFFFFF90] =	vst v0  }
0x29d: {  	v3 =	vand.u32 $0xFFFF0000, v3;
	s26 =	sadd.s32 $0x1, s26;
	[tilespmem:s0+$0xFFFFFFA0] =	vst v0  }
0x29e: {  	v2 =	vmul.f32 v3, v2;
	p0 =	sne.s32 s26, $0x10;
	[tilespmem:s0+$0xFFFFFF60] =	vst v0  }
.Ltmp13:
0x29f: {  	s2 =	sor.u32 s11, s29;
	[tilespmem:s0+$0xFFFFFF50] =	vst v0;
	(pc) =	sbr.rel @p0 .LBB2_12-.Ltmp13, $4  }
0x2a0: {  	s2 =	sor.u32 s30, s2;
	[tilespmem:v63+s17+$0x0] =	vst.idx.add.f32.msk $0xffff, v2  }
0x2a1: {  	s2 =	sshrl.u32 s2, $0x3;
	[tilespmem:s0+$0xFFFFFFB0] =	vst v0  }
0x2a2: {  	s31 =	sadd.s32 s5, s2;
	[tilespmem:s0+$0xFFFFFFC0] =	vst v0  }
0x2a3: {  	[hbm4b:s31+s14] =	stream.strided.scatter [tilespmem:s17], [sflag:$0x4], $0x8000, s15, s14, $0x38;
	[tilespmem:$0x1C000] =	vst v63  }
0x2a4: {  	_ =	swait.ge [sflag:s24], $0x8000  }
0x2a5: {  	s25 =	sadd.s32 $0x1, s25;
	s0 =	rddreg [dreg:$0x5]  }
0x2a6: {  	p0 =	sne.s32 s25, s0  }
.Ltmp14:
0x2a7: {  	_ = 	snop;
	(pc) =	sbr.rel @p0 .LBB2_1-.Ltmp14, $3  }
0x2a8: {  	_ =	sdelay $0x1  }
0x2a9: {  	[sflag:s24] =	ssyncset.done $0x0  }
0x2aa: {  	[sflag:s24] =	ssyncadd.s32 $0xFFFF8000  }
0x2ab: {  	_ =	sfence.sel $0x180000  }
0x2ac: {  	[bflag:$0x0] =	sbarrier.arrive $0xFFFF  }
0x2ad: {  	_ =	strace $0x90000047  }
0x2ae: {  	s0 =	stileid.u32;
	[bflag:$0x2] =	sbarrier.arrive $0xFFFF  }
0x2af: {  	p0 =	sne.s32 s0, $0x0;
	s0 =	rddreg [dreg:$0x2]  }
0x2b0: {  	s0 =	sadd.s32 @!p0 $0x100000, s0  }
0x2b1: {  	[sflag:s0] =	ssyncadd.tile.s32 @!p0 $0x1;
	_ =	shalt  }
.Lfunc_end2:
_tile_overlayer_lowered:
.L_overlay_start_2:
0x2b2: {  	(tag) =	ssettag $0x2  }
0x2b3: {  	s0 =	rddreg [dreg:$0x0];
	s2 =	stileid.u32  }
0x2b4: {  	s1 =	rddreg [dreg:$0x1];
	p0 =	sne.s32 s2, $0x0  }
0x2b5: {  	s3 =	rddreg [dreg:$0x2];
	[bflag:$0x3] =	sbarrier.arrive $0xFFFF;
	s2 =	simm.s32 @!p0 $0x1C05  }
0x2b6: {  	[timem:s3], [sflag:s2] =	dma.local @!p0 [hbm:s0], s1  }
0x2b7: {  	s0 =	simm.s32 @!p0 $0x5  }
0x2b8: {  	_ =	swait.ge @!p0 [sflag:s0], s1  }
0x2b9: {  	s1 =	ssub.s32 @!p0 $0x0, s1;
	[sflag:s0] =	ssyncset.done @!p0 $0x0  }
0x2ba: {  	[sflag:s0] =	ssyncadd.s32 @!p0 s1  }
0x2bb: {  	[bflag:$0x3] =	sbarrier.arrive $0xFFFF  }
0x2bc: {  	_ =	shalt  }

</sc_bundles>
